<compile_context>
chip_gen: v7x
topology: tpu7x:2x2x1
jax: 0.10.2.dev20260603
libtpu: 0.0.44.dev20260713+nightly
codegen_flags: <defaults>
</compile_context>

<pallas_src>
import functools

import jax
import jax.numpy as jnp
from jax.experimental import pallas as pl
from jax.experimental.pallas import tpu as pltpu
from jax.experimental.pallas import tpu_sc as plsc

B, H, HK, S, DH = 1, 16, 2, 2048, 128
KERNEL, STRIDE, BLOCK, TOPK = 32, 16, 64, 16
INIT_BLOCKS, LOCAL_BLOCKS = 1, 2
G = H // HK
NB = S // BLOCK
NC = (S - KERNEL) // STRIDE + 1
NCP = 128
SCALE = 1.0 / (DH ** 0.5)
QT = 256
NQ = S // QT
KVT = 512
NEG = -1e30
C2 = SCALE * 1.4426950408889634


def _kcmp_body(k_ref, o_ref):
    kk = k_ref[0]
    s16 = kk.reshape(S // STRIDE, STRIDE, DH).sum(axis=1)
    nxt = jnp.concatenate([s16[1:], s16[:1]], axis=0)
    o_ref[0] = ((s16 + nxt) * (1.0 / KERNEL)).astype(jnp.bfloat16)


def _select_body(q_ref, kc_ref, m_ref):
    qi = pl.program_id(1)
    qt = q_ref[...]
    kc = kc_ref[0]
    s = jax.lax.dot_general(qt, kc, (((2,), (1,)), ((), ())),
                            preferred_element_type=jnp.float32) * SCALE
    t = qi * QT + jax.lax.broadcasted_iota(jnp.int32, (QT, NCP), 0)
    cend = jax.lax.broadcasted_iota(jnp.int32, (QT, NCP), 1) * STRIDE + (KERNEL - 1)
    vis = cend <= t
    s = jnp.where(vis[None], s, NEG)
    m = jnp.max(s, axis=-1, keepdims=True)
    p = jnp.exp(s - m)
    p = jnp.where(vis[None], p, 0.0)
    denom = jnp.sum(p, axis=-1, keepdims=True)
    p = p / jnp.maximum(denom, 1e-30)
    pg = jnp.sum(p, axis=0)
    pgT = pg.T
    blkT = jnp.max(pgT.reshape(NB, NCP // NB, QT), axis=1)
    nbT = jax.lax.broadcasted_iota(jnp.int32, (NB, QT), 0)
    tqT = qi * QT + jax.lax.broadcasted_iota(jnp.int32, (NB, QT), 1)
    qblkT = tqT // BLOCK
    forced = (nbT < INIT_BLOCKS) | ((nbT <= qblkT) & (nbT > qblkT - LOCAL_BLOCKS))
    m_ref[0] = jnp.where(forced, 1e9, blkT)


SC_COLS = S // 16


def _sc_topk(bsT):
    mesh = plsc.VectorSubcoreMesh(core_axis_name="c", subcore_axis_name="s")

    @functools.partial(
        pl.kernel, mesh=mesh,
        out_type=jax.ShapeDtypeStruct((HK, NB, S), jnp.float32),
        scratch_types=[pltpu.VMEM((NB, SC_COLS), jnp.float32),
                       pltpu.VMEM((NB, SC_COLS), jnp.float32)],
    )
    def run(bs_hbm, out_hbm, in_v, out_v):
        hk = jax.lax.axis_index("c")
        base = jax.lax.axis_index("s") * SC_COLS
        pltpu.sync_copy(bs_hbm.at[hk, :, pl.ds(base, SC_COLS)], in_v)
        lane = jax.lax.iota(jnp.int32, 16)

        def cbody(c, carry):
            qblk = jax.lax.shift_right_logical(base + c * 16 + lane, 6)
            vs = [in_v[j, pl.ds(c * 16, 16)] for j in range(NB)]

            def ibody(i, carry2):
                vi = in_v[i, pl.ds(c * 16, 16)]
                rank = jnp.zeros((16,), jnp.int32)
                for j in range(NB):
                    tlt = jnp.where(j < i, 1, 0)
                    rank = (rank + jnp.where(vs[j] > vi, 1, 0)
                            + jnp.where(vs[j] == vi, tlt, 0))
                sel = (jnp.where(rank < TOPK, 1.0, 0.0)
                       * jnp.where(i <= qblk, 1.0, 0.0))
                out_v[i, pl.ds(c * 16, 16)] = sel
                return carry2

            return jax.lax.fori_loop(0, NB, ibody, carry)

        jax.lax.fori_loop(0, SC_COLS // 16, cbody, 0)
        pltpu.sync_copy(out_v, out_hbm.at[hk, :, pl.ds(base, SC_COLS)])

    return run(bsT)


def _flash_body(q_ref, k_ref, v_ref, m_ref, o_ref):
    qi = pl.program_id(1)
    qt = q_ref[...]
    blkmT = m_ref[0]
    trow = qi * QT + jax.lax.broadcasted_iota(jnp.int32, (QT, KVT), 0)
    colr = jax.lax.broadcasted_iota(jnp.int32, (QT, KVT), 1)
    nbrow = jax.lax.broadcasted_iota(jnp.int32, (NB, KVT), 0)
    colb = jax.lax.broadcasted_iota(jnp.int32, (NB, KVT), 1) // BLOCK

    def body(j, carry):
        l_old, acc = carry
        kc = k_ref[0, pl.ds(j * KVT, KVT), :]
        vc = v_ref[0, pl.ds(j * KVT, KVT), :]
        s = jax.lax.dot_general(qt, kc, (((2,), (1,)), ((), ())),
                                preferred_element_type=jnp.float32)
        ej = (nbrow == (j * (KVT // BLOCK)) + colb).astype(jnp.float32)
        mask2 = jax.lax.dot_general(blkmT, ej, (((0,), (0,)), ((), ())))
        allow = (mask2 > 0.5) & ((j * KVT + colr) <= trow)
        bias = jnp.where(allow, 0.0, NEG)
        p = jax.lax.exp2(s * C2 + bias[None]).astype(jnp.bfloat16)
        l_new = l_old + jnp.sum(p.astype(jnp.float32), axis=-1, keepdims=True)
        pv = jax.lax.dot_general(p, vc, (((2,), (0,)), ((), ())),
                                 preferred_element_type=jnp.float32)
        return l_new, acc + pv

    l0 = jnp.zeros((G, QT, 1), jnp.float32)
    a0 = jnp.zeros((G, QT, DH), jnp.float32)
    l, acc = jax.lax.fori_loop(0, qi // (KVT // QT) + 1, body, (l0, a0))
    o_ref[...] = acc / l


def _select(q3b, k_cmp):
    return pl.pallas_call(
        _select_body,
        grid=(HK, NQ),
        in_specs=[
            pl.BlockSpec((G, QT, DH), lambda h, i: (h, i, 0)),
            pl.BlockSpec((1, NCP, DH), lambda h, i: (h, 0, 0)),
        ],
        out_specs=pl.BlockSpec((1, NB, QT), lambda h, i: (h, 0, i)),
        out_shape=jax.ShapeDtypeStruct((HK, NB, S), jnp.float32),
    )(q3b, k_cmp)


def _flash(q3b, k3, v3, maskT):
    return pl.pallas_call(
        _flash_body,
        grid=(HK, NQ),
        in_specs=[
            pl.BlockSpec((G, QT, DH), lambda h, i: (h, i, 0)),
            pl.BlockSpec((1, S, DH), lambda h, i: (h, 0, 0)),
            pl.BlockSpec((1, S, DH), lambda h, i: (h, 0, 0)),
            pl.BlockSpec((1, NB, QT), lambda h, i: (h, 0, i)),
        ],
        out_specs=pl.BlockSpec((G, QT, DH), lambda h, i: (h, i, 0)),
        out_shape=jax.ShapeDtypeStruct((H, S, DH), jnp.float32),
    )(q3b, k3, v3, maskT)


@jax.jit
def _run(q, k, v):
    q3 = q.reshape(H, S, DH).astype(jnp.bfloat16)
    k3f = k.reshape(HK, S, DH)
    k3 = k3f.astype(jnp.bfloat16)
    v3 = v.reshape(HK, S, DH).astype(jnp.bfloat16)

    k_cmp = pl.pallas_call(
        _kcmp_body,
        grid=(HK,),
        in_specs=[pl.BlockSpec((1, S, DH), lambda h: (h, 0, 0))],
        out_specs=pl.BlockSpec((1, NCP, DH), lambda h: (h, 0, 0)),
        out_shape=jax.ShapeDtypeStruct((HK, NCP, DH), jnp.bfloat16),
    )(k3f)

    scores = _select(q3, k_cmp)
    masks = _sc_topk(scores)
    out = _flash(q3, k3, v3, masks)
    return out.reshape(B, H, S, DH)


def kernel(q, k, v):
    return _run(q, k, v)

# --- scband reference (transcript-rebuilt; emitter-appended) ---
"""Pipeline reference for scband-mini-cpmsparse-flash-attention2-46909632806935 (READ-ONLY COPY).

The authoritative reference and input builder live on the scoring server;
editing this copy changes nothing except your own understanding.
"""

import jax, jax.numpy as jnp
import numpy as np

B, H, HK, S, DH = 1, 16, 2, 2048, 128
KERNEL, STRIDE, BLOCK, TOPK = 32, 16, 64, 16
INIT_BLOCKS, LOCAL_BLOCKS = 1, 2
NB = S // BLOCK
NC = (S - KERNEL) // STRIDE + 1
KPB = BLOCK // STRIDE  # compressed kernels per key block


def setup_inputs(seed: int = 0):
    key = jax.random.key(seed)
    k1, k2, k3 = jax.random.split(key, 3)
    q = jax.random.normal(k1, (B, H, S, DH), jnp.float32)
    k = jax.random.normal(k2, (B, HK, S, DH), jnp.float32)
    v = jax.random.normal(k3, (B, HK, S, DH), jnp.float32)
    return {"q": q, "k": k, "v": v}


def _forward(q, k, v):
    G = H // HK
    scale = 1.0 / np.sqrt(DH)
    t = jnp.arange(S)
    # ---- stage 1 (compressed attention, runs under no_grad in torch) ----
    c_starts = jnp.arange(NC) * STRIDE
    gather_idx = c_starts[:, None] + jnp.arange(KERNEL)[None, :]           # [NC, KERNEL]
    k_cmp = jnp.take(k, gather_idx, axis=2).mean(axis=3)                   # [B,HK,NC,DH] (CompressK)
    k_cmp_rep = jnp.repeat(k_cmp, G, axis=1)                               # [B,H,NC,DH]
    s_cmp = jnp.einsum('bhsd,bhcd->bhsc', q, k_cmp_rep) * scale            # [B,H,S,NC]
    c_end = c_starts + KERNEL - 1
    vis = c_end[None, :] <= t[:, None]                                     # [S,NC] causal on compressed keys
    s_cmp = jnp.where(vis[None, None], s_cmp, -1e30)
    p_cmp = jax.nn.softmax(s_cmp, axis=-1)
    p_cmp = jnp.where(vis[None, None], p_cmp, 0.0)
    # aggregate attention probs over shared query heads per kv-head group (GQA)
    p_grp = p_cmp.reshape(B, HK, G, S, NC).sum(axis=2)                     # [B,HK,S,NC]
    # ---- max_pooling_1d: pool compressed scores into key blocks ----
    pad = NB * KPB - NC
    p_pad = jnp.pad(p_grp, ((0, 0), (0, 0), (0, 0), (0, pad)), constant_values=-1e30)
    blk_score = p_pad.reshape(B, HK, S, NB, KPB).max(axis=-1)              # [B,HK,S,NB]
    # force init blocks and local blocks
    qblk = t // BLOCK
    nb = jnp.arange(NB)
    forced = (nb[None, :] < INIT_BLOCKS) | (
        (nb[None, :] <= qblk[:, None]) & (nb[None, :] > qblk[:, None] - LOCAL_BLOCKS)
    )                                                                      # [S,NB]
    blk_score = jnp.where(forced[None, None], 1e9, blk_score)
    # ---- topk block selection ----
    _, topk_idx = jax.lax.top_k(blk_score, TOPK)                           # [B,HK,S,TOPK]
    blk_mask = jax.nn.one_hot(topk_idx, NB, dtype=jnp.float32).sum(axis=-2) > 0  # [B,HK,S,NB]
    # discard non-causal selections (torch: topk_idx[topk_idx >= q_idx] = -1)
    blk_mask = blk_mask & (nb[None, None, None, :] <= qblk[None, None, :, None])
    blk_mask = jax.lax.stop_gradient(blk_mask)
    # ---- stage 2: topk block-sparse causal attention ----
    tok_mask = jnp.repeat(blk_mask, BLOCK, axis=-1)                        # [B,HK,S,S]
    tok_mask = tok_mask & (t[None, :] <= t[:, None])[None, None]
    tok_mask = jnp.repeat(tok_mask, G, axis=1)                             # [B,H,S,S]
    k_rep = jnp.repeat(k, G, axis=1)
    v_rep = jnp.repeat(v, G, axis=1)
    logits = jnp.einsum('bhsd,bhtd->bhst', q, k_rep) * scale
    logits = jnp.where(tok_mask, logits, -1e30)
    probs = jax.nn.softmax(logits, axis=-1)
    out = jnp.einsum('bhst,bhtd->bhsd', probs, v_rep)                      # [B,H,S,DH]
    return out


def reference(q, k, v):
    return _forward(q, k, v)

if __name__ == "__main__":
    import jax
    _d = setup_inputs()
    print(jax.jit(kernel)(*tuple(_d.values())))

</pallas_src>

<mosaic_0001>
#map = affine_map<(d0, d1) -> (0, 0, 0)>
module attributes {stable_mosaic.version = 14 : i64} {
  func.func @run(%arg0: i32, %arg1: i32, %arg2: memref<2x32x2048xf32, #tpu.memory_space<hbm>>, %arg3: memref<2x32x2048xf32, #tpu.memory_space<hbm>>, %arg4: memref<32x128xf32, #tpu.memory_space<vmem>>, %arg5: memref<32x128xf32, #tpu.memory_space<vmem>>) attributes {dimension_semantics = [#tpu.dimension_semantics<core_parallel>, #tpu.dimension_semantics<subcore_parallel>], iteration_bounds = array<i64: 2, 16>, scalar_prefetch = 0 : i64, scratch_operands = 2 : i64, tpu.core_type = #tpu.core_type<sc_vector_subcore>, window_params = [{transform_indices = #map}, {transform_indices = #map}]} {
    %mul3A = arith.constant 128 : i32
    %mul3A_0 = arith.muli %arg1, %mul3A : i32
    "tpu.region"() ({
      %run_scoped3A = tpu.sem_alloc : memref<!tpu.dma_semaphore, #tpu.memory_space<semaphore_mem>>
      %dma_start3A = arith.constant 0 : i32
      %dma_start3A_6 = tpu.memref_slice %arg2[%arg0, %dma_start3A, %mul3A_0] : memref<2x32x2048xf32, #tpu.memory_space<hbm>> -> memref<1x32x128xf32, #tpu.memory_space<hbm>>
      %dma_start3A_7 = tpu.memref_squeeze %dma_start3A_6 : memref<1x32x128xf32, #tpu.memory_space<hbm>> -> memref<32x128xf32, #tpu.memory_space<hbm>>
      %dma_start3A_8 = arith.constant 0 : i32
      %dma_start3A_9 = tpu.memref_slice %arg2[%arg0, %dma_start3A_8, %mul3A_0] : memref<2x32x2048xf32, #tpu.memory_space<hbm>> -> memref<1x32x128xf32, #tpu.memory_space<hbm>>
      %dma_start3A_10 = tpu.memref_squeeze %dma_start3A_9 : memref<1x32x128xf32, #tpu.memory_space<hbm>> -> memref<32x128xf32, #tpu.memory_space<hbm>>
      tpu.enqueue_dma source(%dma_start3A_10 : memref<32x128xf32, #tpu.memory_space<hbm>>) target(%arg4 : memref<32x128xf32, #tpu.memory_space<vmem>>) target_semaphore(%run_scoped3A : memref<!tpu.dma_semaphore, #tpu.memory_space<semaphore_mem>>)
      %dma_wait3A = arith.constant 0 : i32
      %dma_wait3A_11 = tpu.memref_slice %arg2[%arg0, %dma_wait3A, %mul3A_0] : memref<2x32x2048xf32, #tpu.memory_space<hbm>> -> memref<1x32x128xf32, #tpu.memory_space<hbm>>
      %dma_wait3A_12 = tpu.memref_squeeze %dma_wait3A_11 : memref<1x32x128xf32, #tpu.memory_space<hbm>> -> memref<32x128xf32, #tpu.memory_space<hbm>>
      %dma_wait3A_13 = arith.constant 0 : i32
      %dma_wait3A_14 = tpu.memref_slice %arg2[%arg0, %dma_wait3A_13, %mul3A_0] : memref<2x32x2048xf32, #tpu.memory_space<hbm>> -> memref<1x32x128xf32, #tpu.memory_space<hbm>>
      %dma_wait3A_15 = tpu.memref_squeeze %dma_wait3A_14 : memref<1x32x128xf32, #tpu.memory_space<hbm>> -> memref<32x128xf32, #tpu.memory_space<hbm>>
      tpu.wait_dma2 semaphore(%run_scoped3A : memref<!tpu.dma_semaphore, #tpu.memory_space<semaphore_mem>>) src(%dma_wait3A_15 : memref<32x128xf32, #tpu.memory_space<hbm>>) dst(%arg4 : memref<32x128xf32, #tpu.memory_space<vmem>>)
      tpu.yield
    }) : () -> ()
    %iota3A = tpu.iota {dimensions = array<i32: 0>} : vector<16xi32>
    %scan3A = arith.constant 0 : i32
    %scan3A_1 = arith.constant 0 : i32
    %scan3A_2 = arith.constant 8 : i32
    %scan3A_3 = arith.addi %scan3A_1, %scan3A_2 : i32
    %scan3A_4 = arith.constant 1 : i32
    scf.for %scan3A_6 = %scan3A_1 to %scan3A_3 step %scan3A_4  : i32 {
      %mul3A_7 = arith.constant 16 : i32
      %mul3A_8 = arith.muli %scan3A_6, %mul3A_7 : i32
      %add3A = arith.addi %mul3A_0, %mul3A_8 : i32
      %add3A_9 = vector.broadcast %add3A : i32 to vector<16xi32>
      %add3A_10 = arith.addi %add3A_9, %iota3A : vector<16xi32>
      %shift_right_logical3A = arith.constant 6 : i32
      %shift_right_logical3A_11 = vector.broadcast %shift_right_logical3A : i32 to vector<16xi32>
      %shift_right_logical3A_12 = arith.shrui %add3A_10, %shift_right_logical3A_11 : vector<16xi32>
      %mul3A_13 = arith.constant 16 : i32
      %mul3A_14 = arith.muli %scan3A_6, %mul3A_13 : i32
      %get3A = arith.constant 0 : i32
      %get3A_15 = arith.index_cast %get3A : i32 to index
      %get3A_16 = arith.index_cast %mul3A_14 : i32 to index
      %get3A_17 = tpu.vector_load %arg4[%get3A_15, %get3A_16] {strides = array<i32>} : memref<32x128xf32, #tpu.memory_space<vmem>>, vector<1x16xf32>,
      %get3A_18 = vector.shape_cast %get3A_17 : vector<1x16xf32> to vector<16xf32>
      %mul3A_19 = arith.constant 16 : i32
      %mul3A_20 = arith.muli %scan3A_6, %mul3A_19 : i32
      %get3A_21 = arith.constant 1 : i32
      %get3A_22 = arith.index_cast %get3A_21 : i32 to index
      %get3A_23 = arith.index_cast %mul3A_20 : i32 to index
      %get3A_24 = tpu.vector_load %arg4[%get3A_22, %get3A_23] {strides = array<i32>} : memref<32x128xf32, #tpu.memory_space<vmem>>, vector<1x16xf32>,
      %get3A_25 = vector.shape_cast %get3A_24 : vector<1x16xf32> to vector<16xf32>
      %mul3A_26 = arith.constant 16 : i32
      %mul3A_27 = arith.muli %scan3A_6, %mul3A_26 : i32
      %get3A_28 = arith.constant 2 : i32
      %get3A_29 = arith.index_cast %get3A_28 : i32 to index
      %get3A_30 = arith.index_cast %mul3A_27 : i32 to index
      %get3A_31 = tpu.vector_load %arg4[%get3A_29, %get3A_30] {strides = array<i32>} : memref<32x128xf32, #tpu.memory_space<vmem>>, vector<1x16xf32>,
      %get3A_32 = vector.shape_cast %get3A_31 : vector<1x16xf32> to vector<16xf32>
      %mul3A_33 = arith.constant 16 : i32
      %mul3A_34 = arith.muli %scan3A_6, %mul3A_33 : i32
      %get3A_35 = arith.constant 3 : i32
      %get3A_36 = arith.index_cast %get3A_35 : i32 to index
      %get3A_37 = arith.index_cast %mul3A_34 : i32 to index
      %get3A_38 = tpu.vector_load %arg4[%get3A_36, %get3A_37] {strides = array<i32>} : memref<32x128xf32, #tpu.memory_space<vmem>>, vector<1x16xf32>,
      %get3A_39 = vector.shape_cast %get3A_38 : vector<1x16xf32> to vector<16xf32>
      %mul3A_40 = arith.constant 16 : i32
      %mul3A_41 = arith.muli %scan3A_6, %mul3A_40 : i32
      %get3A_42 = arith.constant 4 : i32
      %get3A_43 = arith.index_cast %get3A_42 : i32 to index
      %get3A_44 = arith.index_cast %mul3A_41 : i32 to index
      %get3A_45 = tpu.vector_load %arg4[%get3A_43, %get3A_44] {strides = array<i32>} : memref<32x128xf32, #tpu.memory_space<vmem>>, vector<1x16xf32>,
      %get3A_46 = vector.shape_cast %get3A_45 : vector<1x16xf32> to vector<16xf32>
      %mul3A_47 = arith.constant 16 : i32
      %mul3A_48 = arith.muli %scan3A_6, %mul3A_47 : i32
      %get3A_49 = arith.constant 5 : i32
      %get3A_50 = arith.index_cast %get3A_49 : i32 to index
      %get3A_51 = arith.index_cast %mul3A_48 : i32 to index
      %get3A_52 = tpu.vector_load %arg4[%get3A_50, %get3A_51] {strides = array<i32>} : memref<32x128xf32, #tpu.memory_space<vmem>>, vector<1x16xf32>,
      %get3A_53 = vector.shape_cast %get3A_52 : vector<1x16xf32> to vector<16xf32>
      %mul3A_54 = arith.constant 16 : i32
      %mul3A_55 = arith.muli %scan3A_6, %mul3A_54 : i32
      %get3A_56 = arith.constant 6 : i32
      %get3A_57 = arith.index_cast %get3A_56 : i32 to index
      %get3A_58 = arith.index_cast %mul3A_55 : i32 to index
      %get3A_59 = tpu.vector_load %arg4[%get3A_57, %get3A_58] {strides = array<i32>} : memref<32x128xf32, #tpu.memory_space<vmem>>, vector<1x16xf32>,
      %get3A_60 = vector.shape_cast %get3A_59 : vector<1x16xf32> to vector<16xf32>
      %mul3A_61 = arith.constant 16 : i32
      %mul3A_62 = arith.muli %scan3A_6, %mul3A_61 : i32
      %get3A_63 = arith.constant 7 : i32
      %get3A_64 = arith.index_cast %get3A_63 : i32 to index
      %get3A_65 = arith.index_cast %mul3A_62 : i32 to index
      %get3A_66 = tpu.vector_load %arg4[%get3A_64, %get3A_65] {strides = array<i32>} : memref<32x128xf32, #tpu.memory_space<vmem>>, vector<1x16xf32>,
      %get3A_67 = vector.shape_cast %get3A_66 : vector<1x16xf32> to vector<16xf32>
      %mul3A_68 = arith.constant 16 : i32
      %mul3A_69 = arith.muli %scan3A_6, %mul3A_68 : i32
      %get3A_70 = arith.constant 8 : i32
      %get3A_71 = arith.index_cast %get3A_70 : i32 to index
      %get3A_72 = arith.index_cast %mul3A_69 : i32 to index
      %get3A_73 = tpu.vector_load %arg4[%get3A_71, %get3A_72] {strides = array<i32>} : memref<32x128xf32, #tpu.memory_space<vmem>>, vector<1x16xf32>,
      %get3A_74 = vector.shape_cast %get3A_73 : vector<1x16xf32> to vector<16xf32>
      %mul3A_75 = arith.constant 16 : i32
      %mul3A_76 = arith.muli %scan3A_6, %mul3A_75 : i32
      %get3A_77 = arith.constant 9 : i32
      %get3A_78 = arith.index_cast %get3A_77 : i32 to index
      %get3A_79 = arith.index_cast %mul3A_76 : i32 to index
      %get3A_80 = tpu.vector_load %arg4[%get3A_78, %get3A_79] {strides = array<i32>} : memref<32x128xf32, #tpu.memory_space<vmem>>, vector<1x16xf32>,
      %get3A_81 = vector.shape_cast %get3A_80 : vector<1x16xf32> to vector<16xf32>
      %mul3A_82 = arith.constant 16 : i32
      %mul3A_83 = arith.muli %scan3A_6, %mul3A_82 : i32
      %get3A_84 = arith.constant 10 : i32
      %get3A_85 = arith.index_cast %get3A_84 : i32 to index
      %get3A_86 = arith.index_cast %mul3A_83 : i32 to index
      %get3A_87 = tpu.vector_load %arg4[%get3A_85, %get3A_86] {strides = array<i32>} : memref<32x128xf32, #tpu.memory_space<vmem>>, vector<1x16xf32>,
      %get3A_88 = vector.shape_cast %get3A_87 : vector<1x16xf32> to vector<16xf32>
      %mul3A_89 = arith.constant 16 : i32
      %mul3A_90 = arith.muli %scan3A_6, %mul3A_89 : i32
      %get3A_91 = arith.constant 11 : i32
      %get3A_92 = arith.index_cast %get3A_91 : i32 to index
      %get3A_93 = arith.index_cast %mul3A_90 : i32 to index
      %get3A_94 = tpu.vector_load %arg4[%get3A_92, %get3A_93] {strides = array<i32>} : memref<32x128xf32, #tpu.memory_space<vmem>>, vector<1x16xf32>,
      %get3A_95 = vector.shape_cast %get3A_94 : vector<1x16xf32> to vector<16xf32>
      %mul3A_96 = arith.constant 16 : i32
      %mul3A_97 = arith.muli %scan3A_6, %mul3A_96 : i32
      %get3A_98 = arith.constant 12 : i32
      %get3A_99 = arith.index_cast %get3A_98 : i32 to index
      %get3A_100 = arith.index_cast %mul3A_97 : i32 to index
      %get3A_101 = tpu.vector_load %arg4[%get3A_99, %get3A_100] {strides = array<i32>} : memref<32x128xf32, #tpu.memory_space<vmem>>, vector<1x16xf32>,
      %get3A_102 = vector.shape_cast %get3A_101 : vector<1x16xf32> to vector<16xf32>
      %mul3A_103 = arith.constant 16 : i32
      %mul3A_104 = arith.muli %scan3A_6, %mul3A_103 : i32
      %get3A_105 = arith.constant 13 : i32
      %get3A_106 = arith.index_cast %get3A_105 : i32 to index
      %get3A_107 = arith.index_cast %mul3A_104 : i32 to index
      %get3A_108 = tpu.vector_load %arg4[%get3A_106, %get3A_107] {strides = array<i32>} : memref<32x128xf32, #tpu.memory_space<vmem>>, vector<1x16xf32>,
      %get3A_109 = vector.shape_cast %get3A_108 : vector<1x16xf32> to vector<16xf32>
      %mul3A_110 = arith.constant 16 : i32
      %mul3A_111 = arith.muli %scan3A_6, %mul3A_110 : i32
      %get3A_112 = arith.constant 14 : i32
      %get3A_113 = arith.index_cast %get3A_112 : i32 to index
      %get3A_114 = arith.index_cast %mul3A_111 : i32 to index
      %get3A_115 = tpu.vector_load %arg4[%get3A_113, %get3A_114] {strides = array<i32>} : memref<32x128xf32, #tpu.memory_space<vmem>>, vector<1x16xf32>,
      %get3A_116 = vector.shape_cast %get3A_115 : vector<1x16xf32> to vector<16xf32>
      %mul3A_117 = arith.constant 16 : i32
      %mul3A_118 = arith.muli %scan3A_6, %mul3A_117 : i32
      %get3A_119 = arith.constant 15 : i32
      %get3A_120 = arith.index_cast %get3A_119 : i32 to index
      %get3A_121 = arith.index_cast %mul3A_118 : i32 to index
      %get3A_122 = tpu.vector_load %arg4[%get3A_120, %get3A_121] {strides = array<i32>} : memref<32x128xf32, #tpu.memory_space<vmem>>, vector<1x16xf32>,
      %get3A_123 = vector.shape_cast %get3A_122 : vector<1x16xf32> to vector<16xf32>
      %mul3A_124 = arith.constant 16 : i32
      %mul3A_125 = arith.muli %scan3A_6, %mul3A_124 : i32
      %get3A_126 = arith.constant 16 : i32
      %get3A_127 = arith.index_cast %get3A_126 : i32 to index
      %get3A_128 = arith.index_cast %mul3A_125 : i32 to index
      %get3A_129 = tpu.vector_load %arg4[%get3A_127, %get3A_128] {strides = array<i32>} : memref<32x128xf32, #tpu.memory_space<vmem>>, vector<1x16xf32>,
      %get3A_130 = vector.shape_cast %get3A_129 : vector<1x16xf32> to vector<16xf32>
      %mul3A_131 = arith.constant 16 : i32
      %mul3A_132 = arith.muli %scan3A_6, %mul3A_131 : i32
      %get3A_133 = arith.constant 17 : i32
      %get3A_134 = arith.index_cast %get3A_133 : i32 to index
      %get3A_135 = arith.index_cast %mul3A_132 : i32 to index
      %get3A_136 = tpu.vector_load %arg4[%get3A_134, %get3A_135] {strides = array<i32>} : memref<32x128xf32, #tpu.memory_space<vmem>>, vector<1x16xf32>,
      %get3A_137 = vector.shape_cast %get3A_136 : vector<1x16xf32> to vector<16xf32>
      %mul3A_138 = arith.constant 16 : i32
      %mul3A_139 = arith.muli %scan3A_6, %mul3A_138 : i32
      %get3A_140 = arith.constant 18 : i32
      %get3A_141 = arith.index_cast %get3A_140 : i32 to index
      %get3A_142 = arith.index_cast %mul3A_139 : i32 to index
      %get3A_143 = tpu.vector_load %arg4[%get3A_141, %get3A_142] {strides = array<i32>} : memref<32x128xf32, #tpu.memory_space<vmem>>, vector<1x16xf32>,
      %get3A_144 = vector.shape_cast %get3A_143 : vector<1x16xf32> to vector<16xf32>
      %mul3A_145 = arith.constant 16 : i32
      %mul3A_146 = arith.muli %scan3A_6, %mul3A_145 : i32
      %get3A_147 = arith.constant 19 : i32
      %get3A_148 = arith.index_cast %get3A_147 : i32 to index
      %get3A_149 = arith.index_cast %mul3A_146 : i32 to index
      %get3A_150 = tpu.vector_load %arg4[%get3A_148, %get3A_149] {strides = array<i32>} : memref<32x128xf32, #tpu.memory_space<vmem>>, vector<1x16xf32>,
      %get3A_151 = vector.shape_cast %get3A_150 : vector<1x16xf32> to vector<16xf32>
      %mul3A_152 = arith.constant 16 : i32
      %mul3A_153 = arith.muli %scan3A_6, %mul3A_152 : i32
      %get3A_154 = arith.constant 20 : i32
      %get3A_155 = arith.index_cast %get3A_154 : i32 to index
      %get3A_156 = arith.index_cast %mul3A_153 : i32 to index
      %get3A_157 = tpu.vector_load %arg4[%get3A_155, %get3A_156] {strides = array<i32>} : memref<32x128xf32, #tpu.memory_space<vmem>>, vector<1x16xf32>,
      %get3A_158 = vector.shape_cast %get3A_157 : vector<1x16xf32> to vector<16xf32>
      %mul3A_159 = arith.constant 16 : i32
      %mul3A_160 = arith.muli %scan3A_6, %mul3A_159 : i32
      %get3A_161 = arith.constant 21 : i32
      %get3A_162 = arith.index_cast %get3A_161 : i32 to index
      %get3A_163 = arith.index_cast %mul3A_160 : i32 to index
      %get3A_164 = tpu.vector_load %arg4[%get3A_162, %get3A_163] {strides = array<i32>} : memref<32x128xf32, #tpu.memory_space<vmem>>, vector<1x16xf32>,
      %get3A_165 = vector.shape_cast %get3A_164 : vector<1x16xf32> to vector<16xf32>
      %mul3A_166 = arith.constant 16 : i32
      %mul3A_167 = arith.muli %scan3A_6, %mul3A_166 : i32
      %get3A_168 = arith.constant 22 : i32
      %get3A_169 = arith.index_cast %get3A_168 : i32 to index
      %get3A_170 = arith.index_cast %mul3A_167 : i32 to index
      %get3A_171 = tpu.vector_load %arg4[%get3A_169, %get3A_170] {strides = array<i32>} : memref<32x128xf32, #tpu.memory_space<vmem>>, vector<1x16xf32>,
      %get3A_172 = vector.shape_cast %get3A_171 : vector<1x16xf32> to vector<16xf32>
      %mul3A_173 = arith.constant 16 : i32
      %mul3A_174 = arith.muli %scan3A_6, %mul3A_173 : i32
      %get3A_175 = arith.constant 23 : i32
      %get3A_176 = arith.index_cast %get3A_175 : i32 to index
      %get3A_177 = arith.index_cast %mul3A_174 : i32 to index
      %get3A_178 = tpu.vector_load %arg4[%get3A_176, %get3A_177] {strides = array<i32>} : memref<32x128xf32, #tpu.memory_space<vmem>>, vector<1x16xf32>,
      %get3A_179 = vector.shape_cast %get3A_178 : vector<1x16xf32> to vector<16xf32>
      %mul3A_180 = arith.constant 16 : i32
      %mul3A_181 = arith.muli %scan3A_6, %mul3A_180 : i32
      %get3A_182 = arith.constant 24 : i32
      %get3A_183 = arith.index_cast %get3A_182 : i32 to index
      %get3A_184 = arith.index_cast %mul3A_181 : i32 to index
      %get3A_185 = tpu.vector_load %arg4[%get3A_183, %get3A_184] {strides = array<i32>} : memref<32x128xf32, #tpu.memory_space<vmem>>, vector<1x16xf32>,
      %get3A_186 = vector.shape_cast %get3A_185 : vector<1x16xf32> to vector<16xf32>
      %mul3A_187 = arith.constant 16 : i32
      %mul3A_188 = arith.muli %scan3A_6, %mul3A_187 : i32
      %get3A_189 = arith.constant 25 : i32
      %get3A_190 = arith.index_cast %get3A_189 : i32 to index
      %get3A_191 = arith.index_cast %mul3A_188 : i32 to index
      %get3A_192 = tpu.vector_load %arg4[%get3A_190, %get3A_191] {strides = array<i32>} : memref<32x128xf32, #tpu.memory_space<vmem>>, vector<1x16xf32>,
      %get3A_193 = vector.shape_cast %get3A_192 : vector<1x16xf32> to vector<16xf32>
      %mul3A_194 = arith.constant 16 : i32
      %mul3A_195 = arith.muli %scan3A_6, %mul3A_194 : i32
      %get3A_196 = arith.constant 26 : i32
      %get3A_197 = arith.index_cast %get3A_196 : i32 to index
      %get3A_198 = arith.index_cast %mul3A_195 : i32 to index
      %get3A_199 = tpu.vector_load %arg4[%get3A_197, %get3A_198] {strides = array<i32>} : memref<32x128xf32, #tpu.memory_space<vmem>>, vector<1x16xf32>,
      %get3A_200 = vector.shape_cast %get3A_199 : vector<1x16xf32> to vector<16xf32>
      %mul3A_201 = arith.constant 16 : i32
      %mul3A_202 = arith.muli %scan3A_6, %mul3A_201 : i32
      %get3A_203 = arith.constant 27 : i32
      %get3A_204 = arith.index_cast %get3A_203 : i32 to index
      %get3A_205 = arith.index_cast %mul3A_202 : i32 to index
      %get3A_206 = tpu.vector_load %arg4[%get3A_204, %get3A_205] {strides = array<i32>} : memref<32x128xf32, #tpu.memory_space<vmem>>, vector<1x16xf32>,
      %get3A_207 = vector.shape_cast %get3A_206 : vector<1x16xf32> to vector<16xf32>
      %mul3A_208 = arith.constant 16 : i32
      %mul3A_209 = arith.muli %scan3A_6, %mul3A_208 : i32
      %get3A_210 = arith.constant 28 : i32
      %get3A_211 = arith.index_cast %get3A_210 : i32 to index
      %get3A_212 = arith.index_cast %mul3A_209 : i32 to index
      %get3A_213 = tpu.vector_load %arg4[%get3A_211, %get3A_212] {strides = array<i32>} : memref<32x128xf32, #tpu.memory_space<vmem>>, vector<1x16xf32>,
      %get3A_214 = vector.shape_cast %get3A_213 : vector<1x16xf32> to vector<16xf32>
      %mul3A_215 = arith.constant 16 : i32
      %mul3A_216 = arith.muli %scan3A_6, %mul3A_215 : i32
      %get3A_217 = arith.constant 29 : i32
      %get3A_218 = arith.index_cast %get3A_217 : i32 to index
      %get3A_219 = arith.index_cast %mul3A_216 : i32 to index
      %get3A_220 = tpu.vector_load %arg4[%get3A_218, %get3A_219] {strides = array<i32>} : memref<32x128xf32, #tpu.memory_space<vmem>>, vector<1x16xf32>,
      %get3A_221 = vector.shape_cast %get3A_220 : vector<1x16xf32> to vector<16xf32>
      %mul3A_222 = arith.constant 16 : i32
      %mul3A_223 = arith.muli %scan3A_6, %mul3A_222 : i32
      %get3A_224 = arith.constant 30 : i32
      %get3A_225 = arith.index_cast %get3A_224 : i32 to index
      %get3A_226 = arith.index_cast %mul3A_223 : i32 to index
      %get3A_227 = tpu.vector_load %arg4[%get3A_225, %get3A_226] {strides = array<i32>} : memref<32x128xf32, #tpu.memory_space<vmem>>, vector<1x16xf32>,
      %get3A_228 = vector.shape_cast %get3A_227 : vector<1x16xf32> to vector<16xf32>
      %mul3A_229 = arith.constant 16 : i32
      %mul3A_230 = arith.muli %scan3A_6, %mul3A_229 : i32
      %get3A_231 = arith.constant 31 : i32
      %get3A_232 = arith.index_cast %get3A_231 : i32 to index
      %get3A_233 = arith.index_cast %mul3A_230 : i32 to index
      %get3A_234 = tpu.vector_load %arg4[%get3A_232, %get3A_233] {strides = array<i32>} : memref<32x128xf32, #tpu.memory_space<vmem>>, vector<1x16xf32>,
      %get3A_235 = vector.shape_cast %get3A_234 : vector<1x16xf32> to vector<16xf32>
      %scan3A_236 = arith.constant 0 : i32
      %scan3A_237 = arith.constant 32 : i32
      %scan3A_238 = arith.addi %scan3A_236, %scan3A_237 : i32
      %scan3A_239 = arith.constant 1 : i32
      scf.for %scan3A_241 = %scan3A_236 to %scan3A_238 step %scan3A_239  : i32 {
        %mul3A_242 = arith.constant 16 : i32
        %mul3A_243 = arith.muli %scan3A_6, %mul3A_242 : i32
        %get3A_244 = arith.index_cast %scan3A_241 : i32 to index
        %get3A_245 = arith.index_cast %mul3A_243 : i32 to index
        %get3A_246 = tpu.vector_load %arg4[%get3A_244, %get3A_245] {strides = array<i32>} : memref<32x128xf32, #tpu.memory_space<vmem>>, vector<1x16xf32>,
        %get3A_247 = vector.shape_cast %get3A_246 : vector<1x16xf32> to vector<16xf32>
        %broadcast_in_dim3A = arith.constant 0 : i32
        %broadcast_in_dim3A_248 = vector.broadcast %broadcast_in_dim3A : i32 to vector<16xi32>
        %gt3A = arith.constant 0 : i32
        %gt3A_249 = arith.cmpi sgt, %scan3A_241, %gt3A : i32
        %jit3A = arith.constant 1 : i32
        %jit3A_250 = arith.constant 0 : i32
        %select_n3A = arith.select %gt3A_249, %jit3A, %jit3A_250 : i32
        %gt3A_251 = arith.cmpf ogt, %get3A_18, %get3A_247 : vector<16xf32>
        %jit3A_252 = arith.constant 1 : i32
        %jit3A_253 = arith.constant 0 : i32
        %broadcast_in_dim3A_254 = vector.broadcast %jit3A_252 : i32 to vector<16xi32>
        %broadcast_in_dim3A_255 = vector.broadcast %jit3A_253 : i32 to vector<16xi32>
        %select_n3A_256 = arith.select %gt3A_251, %broadcast_in_dim3A_254, %broadcast_in_dim3A_255 : vector<16xi1>, vector<16xi32>
        %add3A_257 = arith.addi %broadcast_in_dim3A_248, %select_n3A_256 : vector<16xi32>
        %eq3A = arith.cmpf oeq, %get3A_18, %get3A_247 : vector<16xf32>
        %jit3A_258 = arith.constant 0 : i32
        %broadcast_in_dim3A_259 = vector.broadcast %select_n3A : i32 to vector<16xi32>
        %broadcast_in_dim3A_260 = vector.broadcast %jit3A_258 : i32 to vector<16xi32>
        %select_n3A_261 = arith.select %eq3A, %broadcast_in_dim3A_259, %broadcast_in_dim3A_260 : vector<16xi1>, vector<16xi32>
        %add3A_262 = arith.addi %add3A_257, %select_n3A_261 : vector<16xi32>
        %gt3A_263 = arith.constant 1 : i32
        %gt3A_264 = arith.cmpi sgt, %scan3A_241, %gt3A_263 : i32
        %jit3A_265 = arith.constant 1 : i32
        %jit3A_266 = arith.constant 0 : i32
        %select_n3A_267 = arith.select %gt3A_264, %jit3A_265, %jit3A_266 : i32
        %gt3A_268 = arith.cmpf ogt, %get3A_25, %get3A_247 : vector<16xf32>
        %jit3A_269 = arith.constant 1 : i32
        %jit3A_270 = arith.constant 0 : i32
        %broadcast_in_dim3A_271 = vector.broadcast %jit3A_269 : i32 to vector<16xi32>
        %broadcast_in_dim3A_272 = vector.broadcast %jit3A_270 : i32 to vector<16xi32>
        %select_n3A_273 = arith.select %gt3A_268, %broadcast_in_dim3A_271, %broadcast_in_dim3A_272 : vector<16xi1>, vector<16xi32>
        %add3A_274 = arith.addi %add3A_262, %select_n3A_273 : vector<16xi32>
        %eq3A_275 = arith.cmpf oeq, %get3A_25, %get3A_247 : vector<16xf32>
        %jit3A_276 = arith.constant 0 : i32
        %broadcast_in_dim3A_277 = vector.broadcast %select_n3A_267 : i32 to vector<16xi32>
        %broadcast_in_dim3A_278 = vector.broadcast %jit3A_276 : i32 to vector<16xi32>
        %select_n3A_279 = arith.select %eq3A_275, %broadcast_in_dim3A_277, %broadcast_in_dim3A_278 : vector<16xi1>, vector<16xi32>
        %add3A_280 = arith.addi %add3A_274, %select_n3A_279 : vector<16xi32>
        %gt3A_281 = arith.constant 2 : i32
        %gt3A_282 = arith.cmpi sgt, %scan3A_241, %gt3A_281 : i32
        %jit3A_283 = arith.constant 1 : i32
        %jit3A_284 = arith.constant 0 : i32
        %select_n3A_285 = arith.select %gt3A_282, %jit3A_283, %jit3A_284 : i32
        %gt3A_286 = arith.cmpf ogt, %get3A_32, %get3A_247 : vector<16xf32>
        %jit3A_287 = arith.constant 1 : i32
        %jit3A_288 = arith.constant 0 : i32
        %broadcast_in_dim3A_289 = vector.broadcast %jit3A_287 : i32 to vector<16xi32>
        %broadcast_in_dim3A_290 = vector.broadcast %jit3A_288 : i32 to vector<16xi32>
        %select_n3A_291 = arith.select %gt3A_286, %broadcast_in_dim3A_289, %broadcast_in_dim3A_290 : vector<16xi1>, vector<16xi32>
        %add3A_292 = arith.addi %add3A_280, %select_n3A_291 : vector<16xi32>
        %eq3A_293 = arith.cmpf oeq, %get3A_32, %get3A_247 : vector<16xf32>
        %jit3A_294 = arith.constant 0 : i32
        %broadcast_in_dim3A_295 = vector.broadcast %select_n3A_285 : i32 to vector<16xi32>
        %broadcast_in_dim3A_296 = vector.broadcast %jit3A_294 : i32 to vector<16xi32>
        %select_n3A_297 = arith.select %eq3A_293, %broadcast_in_dim3A_295, %broadcast_in_dim3A_296 : vector<16xi1>, vector<16xi32>
        %add3A_298 = arith.addi %add3A_292, %select_n3A_297 : vector<16xi32>
        %gt3A_299 = arith.constant 3 : i32
        %gt3A_300 = arith.cmpi sgt, %scan3A_241, %gt3A_299 : i32
        %jit3A_301 = arith.constant 1 : i32
        %jit3A_302 = arith.constant 0 : i32
        %select_n3A_303 = arith.select %gt3A_300, %jit3A_301, %jit3A_302 : i32
        %gt3A_304 = arith.cmpf ogt, %get3A_39, %get3A_247 : vector<16xf32>
        %jit3A_305 = arith.constant 1 : i32
        %jit3A_306 = arith.constant 0 : i32
        %broadcast_in_dim3A_307 = vector.broadcast %jit3A_305 : i32 to vector<16xi32>
        %broadcast_in_dim3A_308 = vector.broadcast %jit3A_306 : i32 to vector<16xi32>
        %select_n3A_309 = arith.select %gt3A_304, %broadcast_in_dim3A_307, %broadcast_in_dim3A_308 : vector<16xi1>, vector<16xi32>
        %add3A_310 = arith.addi %add3A_298, %select_n3A_309 : vector<16xi32>
        %eq3A_311 = arith.cmpf oeq, %get3A_39, %get3A_247 : vector<16xf32>
        %jit3A_312 = arith.constant 0 : i32
        %broadcast_in_dim3A_313 = vector.broadcast %select_n3A_303 : i32 to vector<16xi32>
        %broadcast_in_dim3A_314 = vector.broadcast %jit3A_312 : i32 to vector<16xi32>
        %select_n3A_315 = arith.select %eq3A_311, %broadcast_in_dim3A_313, %broadcast_in_dim3A_314 : vector<16xi1>, vector<16xi32>
        %add3A_316 = arith.addi %add3A_310, %select_n3A_315 : vector<16xi32>
        %gt3A_317 = arith.constant 4 : i32
        %gt3A_318 = arith.cmpi sgt, %scan3A_241, %gt3A_317 : i32
        %jit3A_319 = arith.constant 1 : i32
        %jit3A_320 = arith.constant 0 : i32
        %select_n3A_321 = arith.select %gt3A_318, %jit3A_319, %jit3A_320 : i32
        %gt3A_322 = arith.cmpf ogt, %get3A_46, %get3A_247 : vector<16xf32>
        %jit3A_323 = arith.constant 1 : i32
        %jit3A_324 = arith.constant 0 : i32
        %broadcast_in_dim3A_325 = vector.broadcast %jit3A_323 : i32 to vector<16xi32>
        %broadcast_in_dim3A_326 = vector.broadcast %jit3A_324 : i32 to vector<16xi32>
        %select_n3A_327 = arith.select %gt3A_322, %broadcast_in_dim3A_325, %broadcast_in_dim3A_326 : vector<16xi1>, vector<16xi32>
        %add3A_328 = arith.addi %add3A_316, %select_n3A_327 : vector<16xi32>
        %eq3A_329 = arith.cmpf oeq, %get3A_46, %get3A_247 : vector<16xf32>
        %jit3A_330 = arith.constant 0 : i32
        %broadcast_in_dim3A_331 = vector.broadcast %select_n3A_321 : i32 to vector<16xi32>
        %broadcast_in_dim3A_332 = vector.broadcast %jit3A_330 : i32 to vector<16xi32>
        %select_n3A_333 = arith.select %eq3A_329, %broadcast_in_dim3A_331, %broadcast_in_dim3A_332 : vector<16xi1>, vector<16xi32>
        %add3A_334 = arith.addi %add3A_328, %select_n3A_333 : vector<16xi32>
        %gt3A_335 = arith.constant 5 : i32
        %gt3A_336 = arith.cmpi sgt, %scan3A_241, %gt3A_335 : i32
        %jit3A_337 = arith.constant 1 : i32
        %jit3A_338 = arith.constant 0 : i32
        %select_n3A_339 = arith.select %gt3A_336, %jit3A_337, %jit3A_338 : i32
        %gt3A_340 = arith.cmpf ogt, %get3A_53, %get3A_247 : vector<16xf32>
        %jit3A_341 = arith.constant 1 : i32
        %jit3A_342 = arith.constant 0 : i32
        %broadcast_in_dim3A_343 = vector.broadcast %jit3A_341 : i32 to vector<16xi32>
        %broadcast_in_dim3A_344 = vector.broadcast %jit3A_342 : i32 to vector<16xi32>
        %select_n3A_345 = arith.select %gt3A_340, %broadcast_in_dim3A_343, %broadcast_in_dim3A_344 : vector<16xi1>, vector<16xi32>
        %add3A_346 = arith.addi %add3A_334, %select_n3A_345 : vector<16xi32>
        %eq3A_347 = arith.cmpf oeq, %get3A_53, %get3A_247 : vector<16xf32>
        %jit3A_348 = arith.constant 0 : i32
        %broadcast_in_dim3A_349 = vector.broadcast %select_n3A_339 : i32 to vector<16xi32>
        %broadcast_in_dim3A_350 = vector.broadcast %jit3A_348 : i32 to vector<16xi32>
        %select_n3A_351 = arith.select %eq3A_347, %broadcast_in_dim3A_349, %broadcast_in_dim3A_350 : vector<16xi1>, vector<16xi32>
        %add3A_352 = arith.addi %add3A_346, %select_n3A_351 : vector<16xi32>
        %gt3A_353 = arith.constant 6 : i32
        %gt3A_354 = arith.cmpi sgt, %scan3A_241, %gt3A_353 : i32
        %jit3A_355 = arith.constant 1 : i32
        %jit3A_356 = arith.constant 0 : i32
        %select_n3A_357 = arith.select %gt3A_354, %jit3A_355, %jit3A_356 : i32
        %gt3A_358 = arith.cmpf ogt, %get3A_60, %get3A_247 : vector<16xf32>
        %jit3A_359 = arith.constant 1 : i32
        %jit3A_360 = arith.constant 0 : i32
        %broadcast_in_dim3A_361 = vector.broadcast %jit3A_359 : i32 to vector<16xi32>
        %broadcast_in_dim3A_362 = vector.broadcast %jit3A_360 : i32 to vector<16xi32>
        %select_n3A_363 = arith.select %gt3A_358, %broadcast_in_dim3A_361, %broadcast_in_dim3A_362 : vector<16xi1>, vector<16xi32>
        %add3A_364 = arith.addi %add3A_352, %select_n3A_363 : vector<16xi32>
        %eq3A_365 = arith.cmpf oeq, %get3A_60, %get3A_247 : vector<16xf32>
        %jit3A_366 = arith.constant 0 : i32
        %broadcast_in_dim3A_367 = vector.broadcast %select_n3A_357 : i32 to vector<16xi32>
        %broadcast_in_dim3A_368 = vector.broadcast %jit3A_366 : i32 to vector<16xi32>
        %select_n3A_369 = arith.select %eq3A_365, %broadcast_in_dim3A_367, %broadcast_in_dim3A_368 : vector<16xi1>, vector<16xi32>
        %add3A_370 = arith.addi %add3A_364, %select_n3A_369 : vector<16xi32>
        %gt3A_371 = arith.constant 7 : i32
        %gt3A_372 = arith.cmpi sgt, %scan3A_241, %gt3A_371 : i32
        %jit3A_373 = arith.constant 1 : i32
        %jit3A_374 = arith.constant 0 : i32
        %select_n3A_375 = arith.select %gt3A_372, %jit3A_373, %jit3A_374 : i32
        %gt3A_376 = arith.cmpf ogt, %get3A_67, %get3A_247 : vector<16xf32>
        %jit3A_377 = arith.constant 1 : i32
        %jit3A_378 = arith.constant 0 : i32
        %broadcast_in_dim3A_379 = vector.broadcast %jit3A_377 : i32 to vector<16xi32>
        %broadcast_in_dim3A_380 = vector.broadcast %jit3A_378 : i32 to vector<16xi32>
        %select_n3A_381 = arith.select %gt3A_376, %broadcast_in_dim3A_379, %broadcast_in_dim3A_380 : vector<16xi1>, vector<16xi32>
        %add3A_382 = arith.addi %add3A_370, %select_n3A_381 : vector<16xi32>
        %eq3A_383 = arith.cmpf oeq, %get3A_67, %get3A_247 : vector<16xf32>
        %jit3A_384 = arith.constant 0 : i32
        %broadcast_in_dim3A_385 = vector.broadcast %select_n3A_375 : i32 to vector<16xi32>
        %broadcast_in_dim3A_386 = vector.broadcast %jit3A_384 : i32 to vector<16xi32>
        %select_n3A_387 = arith.select %eq3A_383, %broadcast_in_dim3A_385, %broadcast_in_dim3A_386 : vector<16xi1>, vector<16xi32>
        %add3A_388 = arith.addi %add3A_382, %select_n3A_387 : vector<16xi32>
        %gt3A_389 = arith.constant 8 : i32
        %gt3A_390 = arith.cmpi sgt, %scan3A_241, %gt3A_389 : i32
        %jit3A_391 = arith.constant 1 : i32
        %jit3A_392 = arith.constant 0 : i32
        %select_n3A_393 = arith.select %gt3A_390, %jit3A_391, %jit3A_392 : i32
        %gt3A_394 = arith.cmpf ogt, %get3A_74, %get3A_247 : vector<16xf32>
        %jit3A_395 = arith.constant 1 : i32
        %jit3A_396 = arith.constant 0 : i32
        %broadcast_in_dim3A_397 = vector.broadcast %jit3A_395 : i32 to vector<16xi32>
        %broadcast_in_dim3A_398 = vector.broadcast %jit3A_396 : i32 to vector<16xi32>
        %select_n3A_399 = arith.select %gt3A_394, %broadcast_in_dim3A_397, %broadcast_in_dim3A_398 : vector<16xi1>, vector<16xi32>
        %add3A_400 = arith.addi %add3A_388, %select_n3A_399 : vector<16xi32>
        %eq3A_401 = arith.cmpf oeq, %get3A_74, %get3A_247 : vector<16xf32>
        %jit3A_402 = arith.constant 0 : i32
        %broadcast_in_dim3A_403 = vector.broadcast %select_n3A_393 : i32 to vector<16xi32>
        %broadcast_in_dim3A_404 = vector.broadcast %jit3A_402 : i32 to vector<16xi32>
        %select_n3A_405 = arith.select %eq3A_401, %broadcast_in_dim3A_403, %broadcast_in_dim3A_404 : vector<16xi1>, vector<16xi32>
        %add3A_406 = arith.addi %add3A_400, %select_n3A_405 : vector<16xi32>
        %gt3A_407 = arith.constant 9 : i32
        %gt3A_408 = arith.cmpi sgt, %scan3A_241, %gt3A_407 : i32
        %jit3A_409 = arith.constant 1 : i32
        %jit3A_410 = arith.constant 0 : i32
        %select_n3A_411 = arith.select %gt3A_408, %jit3A_409, %jit3A_410 : i32
        %gt3A_412 = arith.cmpf ogt, %get3A_81, %get3A_247 : vector<16xf32>
        %jit3A_413 = arith.constant 1 : i32
        %jit3A_414 = arith.constant 0 : i32
        %broadcast_in_dim3A_415 = vector.broadcast %jit3A_413 : i32 to vector<16xi32>
        %broadcast_in_dim3A_416 = vector.broadcast %jit3A_414 : i32 to vector<16xi32>
        %select_n3A_417 = arith.select %gt3A_412, %broadcast_in_dim3A_415, %broadcast_in_dim3A_416 : vector<16xi1>, vector<16xi32>
        %add3A_418 = arith.addi %add3A_406, %select_n3A_417 : vector<16xi32>
        %eq3A_419 = arith.cmpf oeq, %get3A_81, %get3A_247 : vector<16xf32>
        %jit3A_420 = arith.constant 0 : i32
        %broadcast_in_dim3A_421 = vector.broadcast %select_n3A_411 : i32 to vector<16xi32>
        %broadcast_in_dim3A_422 = vector.broadcast %jit3A_420 : i32 to vector<16xi32>
        %select_n3A_423 = arith.select %eq3A_419, %broadcast_in_dim3A_421, %broadcast_in_dim3A_422 : vector<16xi1>, vector<16xi32>
        %add3A_424 = arith.addi %add3A_418, %select_n3A_423 : vector<16xi32>
        %gt3A_425 = arith.constant 10 : i32
        %gt3A_426 = arith.cmpi sgt, %scan3A_241, %gt3A_425 : i32
        %jit3A_427 = arith.constant 1 : i32
        %jit3A_428 = arith.constant 0 : i32
        %select_n3A_429 = arith.select %gt3A_426, %jit3A_427, %jit3A_428 : i32
        %gt3A_430 = arith.cmpf ogt, %get3A_88, %get3A_247 : vector<16xf32>
        %jit3A_431 = arith.constant 1 : i32
        %jit3A_432 = arith.constant 0 : i32
        %broadcast_in_dim3A_433 = vector.broadcast %jit3A_431 : i32 to vector<16xi32>
        %broadcast_in_dim3A_434 = vector.broadcast %jit3A_432 : i32 to vector<16xi32>
        %select_n3A_435 = arith.select %gt3A_430, %broadcast_in_dim3A_433, %broadcast_in_dim3A_434 : vector<16xi1>, vector<16xi32>
        %add3A_436 = arith.addi %add3A_424, %select_n3A_435 : vector<16xi32>
        %eq3A_437 = arith.cmpf oeq, %get3A_88, %get3A_247 : vector<16xf32>
        %jit3A_438 = arith.constant 0 : i32
        %broadcast_in_dim3A_439 = vector.broadcast %select_n3A_429 : i32 to vector<16xi32>
        %broadcast_in_dim3A_440 = vector.broadcast %jit3A_438 : i32 to vector<16xi32>
        %select_n3A_441 = arith.select %eq3A_437, %broadcast_in_dim3A_439, %broadcast_in_dim3A_440 : vector<16xi1>, vector<16xi32>
        %add3A_442 = arith.addi %add3A_436, %select_n3A_441 : vector<16xi32>
        %gt3A_443 = arith.constant 11 : i32
        %gt3A_444 = arith.cmpi sgt, %scan3A_241, %gt3A_443 : i32
        %jit3A_445 = arith.constant 1 : i32
        %jit3A_446 = arith.constant 0 : i32
        %select_n3A_447 = arith.select %gt3A_444, %jit3A_445, %jit3A_446 : i32
        %gt3A_448 = arith.cmpf ogt, %get3A_95, %get3A_247 : vector<16xf32>
        %jit3A_449 = arith.constant 1 : i32
        %jit3A_450 = arith.constant 0 : i32
        %broadcast_in_dim3A_451 = vector.broadcast %jit3A_449 : i32 to vector<16xi32>
        %broadcast_in_dim3A_452 = vector.broadcast %jit3A_450 : i32 to vector<16xi32>
        %select_n3A_453 = arith.select %gt3A_448, %broadcast_in_dim3A_451, %broadcast_in_dim3A_452 : vector<16xi1>, vector<16xi32>
        %add3A_454 = arith.addi %add3A_442, %select_n3A_453 : vector<16xi32>
        %eq3A_455 = arith.cmpf oeq, %get3A_95, %get3A_247 : vector<16xf32>
        %jit3A_456 = arith.constant 0 : i32
        %broadcast_in_dim3A_457 = vector.broadcast %select_n3A_447 : i32 to vector<16xi32>
        %broadcast_in_dim3A_458 = vector.broadcast %jit3A_456 : i32 to vector<16xi32>
        %select_n3A_459 = arith.select %eq3A_455, %broadcast_in_dim3A_457, %broadcast_in_dim3A_458 : vector<16xi1>, vector<16xi32>
        %add3A_460 = arith.addi %add3A_454, %select_n3A_459 : vector<16xi32>
        %gt3A_461 = arith.constant 12 : i32
        %gt3A_462 = arith.cmpi sgt, %scan3A_241, %gt3A_461 : i32
        %jit3A_463 = arith.constant 1 : i32
        %jit3A_464 = arith.constant 0 : i32
        %select_n3A_465 = arith.select %gt3A_462, %jit3A_463, %jit3A_464 : i32
        %gt3A_466 = arith.cmpf ogt, %get3A_102, %get3A_247 : vector<16xf32>
        %jit3A_467 = arith.constant 1 : i32
        %jit3A_468 = arith.constant 0 : i32
        %broadcast_in_dim3A_469 = vector.broadcast %jit3A_467 : i32 to vector<16xi32>
        %broadcast_in_dim3A_470 = vector.broadcast %jit3A_468 : i32 to vector<16xi32>
        %select_n3A_471 = arith.select %gt3A_466, %broadcast_in_dim3A_469, %broadcast_in_dim3A_470 : vector<16xi1>, vector<16xi32>
        %add3A_472 = arith.addi %add3A_460, %select_n3A_471 : vector<16xi32>
        %eq3A_473 = arith.cmpf oeq, %get3A_102, %get3A_247 : vector<16xf32>
        %jit3A_474 = arith.constant 0 : i32
        %broadcast_in_dim3A_475 = vector.broadcast %select_n3A_465 : i32 to vector<16xi32>
        %broadcast_in_dim3A_476 = vector.broadcast %jit3A_474 : i32 to vector<16xi32>
        %select_n3A_477 = arith.select %eq3A_473, %broadcast_in_dim3A_475, %broadcast_in_dim3A_476 : vector<16xi1>, vector<16xi32>
        %add3A_478 = arith.addi %add3A_472, %select_n3A_477 : vector<16xi32>
        %gt3A_479 = arith.constant 13 : i32
        %gt3A_480 = arith.cmpi sgt, %scan3A_241, %gt3A_479 : i32
        %jit3A_481 = arith.constant 1 : i32
        %jit3A_482 = arith.constant 0 : i32
        %select_n3A_483 = arith.select %gt3A_480, %jit3A_481, %jit3A_482 : i32
        %gt3A_484 = arith.cmpf ogt, %get3A_109, %get3A_247 : vector<16xf32>
        %jit3A_485 = arith.constant 1 : i32
        %jit3A_486 = arith.constant 0 : i32
        %broadcast_in_dim3A_487 = vector.broadcast %jit3A_485 : i32 to vector<16xi32>
        %broadcast_in_dim3A_488 = vector.broadcast %jit3A_486 : i32 to vector<16xi32>
        %select_n3A_489 = arith.select %gt3A_484, %broadcast_in_dim3A_487, %broadcast_in_dim3A_488 : vector<16xi1>, vector<16xi32>
        %add3A_490 = arith.addi %add3A_478, %select_n3A_489 : vector<16xi32>
        %eq3A_491 = arith.cmpf oeq, %get3A_109, %get3A_247 : vector<16xf32>
        %jit3A_492 = arith.constant 0 : i32
        %broadcast_in_dim3A_493 = vector.broadcast %select_n3A_483 : i32 to vector<16xi32>
        %broadcast_in_dim3A_494 = vector.broadcast %jit3A_492 : i32 to vector<16xi32>
        %select_n3A_495 = arith.select %eq3A_491, %broadcast_in_dim3A_493, %broadcast_in_dim3A_494 : vector<16xi1>, vector<16xi32>
        %add3A_496 = arith.addi %add3A_490, %select_n3A_495 : vector<16xi32>
        %gt3A_497 = arith.constant 14 : i32
        %gt3A_498 = arith.cmpi sgt, %scan3A_241, %gt3A_497 : i32
        %jit3A_499 = arith.constant 1 : i32
        %jit3A_500 = arith.constant 0 : i32
        %select_n3A_501 = arith.select %gt3A_498, %jit3A_499, %jit3A_500 : i32
        %gt3A_502 = arith.cmpf ogt, %get3A_116, %get3A_247 : vector<16xf32>
        %jit3A_503 = arith.constant 1 : i32
        %jit3A_504 = arith.constant 0 : i32
        %broadcast_in_dim3A_505 = vector.broadcast %jit3A_503 : i32 to vector<16xi32>
        %broadcast_in_dim3A_506 = vector.broadcast %jit3A_504 : i32 to vector<16xi32>
        %select_n3A_507 = arith.select %gt3A_502, %broadcast_in_dim3A_505, %broadcast_in_dim3A_506 : vector<16xi1>, vector<16xi32>
        %add3A_508 = arith.addi %add3A_496, %select_n3A_507 : vector<16xi32>
        %eq3A_509 = arith.cmpf oeq, %get3A_116, %get3A_247 : vector<16xf32>
        %jit3A_510 = arith.constant 0 : i32
        %broadcast_in_dim3A_511 = vector.broadcast %select_n3A_501 : i32 to vector<16xi32>
        %broadcast_in_dim3A_512 = vector.broadcast %jit3A_510 : i32 to vector<16xi32>
        %select_n3A_513 = arith.select %eq3A_509, %broadcast_in_dim3A_511, %broadcast_in_dim3A_512 : vector<16xi1>, vector<16xi32>
        %add3A_514 = arith.addi %add3A_508, %select_n3A_513 : vector<16xi32>
        %gt3A_515 = arith.constant 15 : i32
        %gt3A_516 = arith.cmpi sgt, %scan3A_241, %gt3A_515 : i32
        %jit3A_517 = arith.constant 1 : i32
        %jit3A_518 = arith.constant 0 : i32
        %select_n3A_519 = arith.select %gt3A_516, %jit3A_517, %jit3A_518 : i32
        %gt3A_520 = arith.cmpf ogt, %get3A_123, %get3A_247 : vector<16xf32>
        %jit3A_521 = arith.constant 1 : i32
        %jit3A_522 = arith.constant 0 : i32
        %broadcast_in_dim3A_523 = vector.broadcast %jit3A_521 : i32 to vector<16xi32>
        %broadcast_in_dim3A_524 = vector.broadcast %jit3A_522 : i32 to vector<16xi32>
        %select_n3A_525 = arith.select %gt3A_520, %broadcast_in_dim3A_523, %broadcast_in_dim3A_524 : vector<16xi1>, vector<16xi32>
        %add3A_526 = arith.addi %add3A_514, %select_n3A_525 : vector<16xi32>
        %eq3A_527 = arith.cmpf oeq, %get3A_123, %get3A_247 : vector<16xf32>
        %jit3A_528 = arith.constant 0 : i32
        %broadcast_in_dim3A_529 = vector.broadcast %select_n3A_519 : i32 to vector<16xi32>
        %broadcast_in_dim3A_530 = vector.broadcast %jit3A_528 : i32 to vector<16xi32>
        %select_n3A_531 = arith.select %eq3A_527, %broadcast_in_dim3A_529, %broadcast_in_dim3A_530 : vector<16xi1>, vector<16xi32>
        %add3A_532 = arith.addi %add3A_526, %select_n3A_531 : vector<16xi32>
        %gt3A_533 = arith.constant 16 : i32
        %gt3A_534 = arith.cmpi sgt, %scan3A_241, %gt3A_533 : i32
        %jit3A_535 = arith.constant 1 : i32
        %jit3A_536 = arith.constant 0 : i32
        %select_n3A_537 = arith.select %gt3A_534, %jit3A_535, %jit3A_536 : i32
        %gt3A_538 = arith.cmpf ogt, %get3A_130, %get3A_247 : vector<16xf32>
        %jit3A_539 = arith.constant 1 : i32
        %jit3A_540 = arith.constant 0 : i32
        %broadcast_in_dim3A_541 = vector.broadcast %jit3A_539 : i32 to vector<16xi32>
        %broadcast_in_dim3A_542 = vector.broadcast %jit3A_540 : i32 to vector<16xi32>
        %select_n3A_543 = arith.select %gt3A_538, %broadcast_in_dim3A_541, %broadcast_in_dim3A_542 : vector<16xi1>, vector<16xi32>
        %add3A_544 = arith.addi %add3A_532, %select_n3A_543 : vector<16xi32>
        %eq3A_545 = arith.cmpf oeq, %get3A_130, %get3A_247 : vector<16xf32>
        %jit3A_546 = arith.constant 0 : i32
        %broadcast_in_dim3A_547 = vector.broadcast %select_n3A_537 : i32 to vector<16xi32>
        %broadcast_in_dim3A_548 = vector.broadcast %jit3A_546 : i32 to vector<16xi32>
        %select_n3A_549 = arith.select %eq3A_545, %broadcast_in_dim3A_547, %broadcast_in_dim3A_548 : vector<16xi1>, vector<16xi32>
        %add3A_550 = arith.addi %add3A_544, %select_n3A_549 : vector<16xi32>
        %gt3A_551 = arith.constant 17 : i32
        %gt3A_552 = arith.cmpi sgt, %scan3A_241, %gt3A_551 : i32
        %jit3A_553 = arith.constant 1 : i32
        %jit3A_554 = arith.constant 0 : i32
        %select_n3A_555 = arith.select %gt3A_552, %jit3A_553, %jit3A_554 : i32
        %gt3A_556 = arith.cmpf ogt, %get3A_137, %get3A_247 : vector<16xf32>
        %jit3A_557 = arith.constant 1 : i32
        %jit3A_558 = arith.constant 0 : i32
        %broadcast_in_dim3A_559 = vector.broadcast %jit3A_557 : i32 to vector<16xi32>
        %broadcast_in_dim3A_560 = vector.broadcast %jit3A_558 : i32 to vector<16xi32>
        %select_n3A_561 = arith.select %gt3A_556, %broadcast_in_dim3A_559, %broadcast_in_dim3A_560 : vector<16xi1>, vector<16xi32>
        %add3A_562 = arith.addi %add3A_550, %select_n3A_561 : vector<16xi32>
        %eq3A_563 = arith.cmpf oeq, %get3A_137, %get3A_247 : vector<16xf32>
        %jit3A_564 = arith.constant 0 : i32
        %broadcast_in_dim3A_565 = vector.broadcast %select_n3A_555 : i32 to vector<16xi32>
        %broadcast_in_dim3A_566 = vector.broadcast %jit3A_564 : i32 to vector<16xi32>
        %select_n3A_567 = arith.select %eq3A_563, %broadcast_in_dim3A_565, %broadcast_in_dim3A_566 : vector<16xi1>, vector<16xi32>
        %add3A_568 = arith.addi %add3A_562, %select_n3A_567 : vector<16xi32>
        %gt3A_569 = arith.constant 18 : i32
        %gt3A_570 = arith.cmpi sgt, %scan3A_241, %gt3A_569 : i32
        %jit3A_571 = arith.constant 1 : i32
        %jit3A_572 = arith.constant 0 : i32
        %select_n3A_573 = arith.select %gt3A_570, %jit3A_571, %jit3A_572 : i32
        %gt3A_574 = arith.cmpf ogt, %get3A_144, %get3A_247 : vector<16xf32>
        %jit3A_575 = arith.constant 1 : i32
        %jit3A_576 = arith.constant 0 : i32
        %broadcast_in_dim3A_577 = vector.broadcast %jit3A_575 : i32 to vector<16xi32>
        %broadcast_in_dim3A_578 = vector.broadcast %jit3A_576 : i32 to vector<16xi32>
        %select_n3A_579 = arith.select %gt3A_574, %broadcast_in_dim3A_577, %broadcast_in_dim3A_578 : vector<16xi1>, vector<16xi32>
        %add3A_580 = arith.addi %add3A_568, %select_n3A_579 : vector<16xi32>
        %eq3A_581 = arith.cmpf oeq, %get3A_144, %get3A_247 : vector<16xf32>
        %jit3A_582 = arith.constant 0 : i32
        %broadcast_in_dim3A_583 = vector.broadcast %select_n3A_573 : i32 to vector<16xi32>
        %broadcast_in_dim3A_584 = vector.broadcast %jit3A_582 : i32 to vector<16xi32>
        %select_n3A_585 = arith.select %eq3A_581, %broadcast_in_dim3A_583, %broadcast_in_dim3A_584 : vector<16xi1>, vector<16xi32>
        %add3A_586 = arith.addi %add3A_580, %select_n3A_585 : vector<16xi32>
        %gt3A_587 = arith.constant 19 : i32
        %gt3A_588 = arith.cmpi sgt, %scan3A_241, %gt3A_587 : i32
        %jit3A_589 = arith.constant 1 : i32
        %jit3A_590 = arith.constant 0 : i32
        %select_n3A_591 = arith.select %gt3A_588, %jit3A_589, %jit3A_590 : i32
        %gt3A_592 = arith.cmpf ogt, %get3A_151, %get3A_247 : vector<16xf32>
        %jit3A_593 = arith.constant 1 : i32
        %jit3A_594 = arith.constant 0 : i32
        %broadcast_in_dim3A_595 = vector.broadcast %jit3A_593 : i32 to vector<16xi32>
        %broadcast_in_dim3A_596 = vector.broadcast %jit3A_594 : i32 to vector<16xi32>
        %select_n3A_597 = arith.select %gt3A_592, %broadcast_in_dim3A_595, %broadcast_in_dim3A_596 : vector<16xi1>, vector<16xi32>
        %add3A_598 = arith.addi %add3A_586, %select_n3A_597 : vector<16xi32>
        %eq3A_599 = arith.cmpf oeq, %get3A_151, %get3A_247 : vector<16xf32>
        %jit3A_600 = arith.constant 0 : i32
        %broadcast_in_dim3A_601 = vector.broadcast %select_n3A_591 : i32 to vector<16xi32>
        %broadcast_in_dim3A_602 = vector.broadcast %jit3A_600 : i32 to vector<16xi32>
        %select_n3A_603 = arith.select %eq3A_599, %broadcast_in_dim3A_601, %broadcast_in_dim3A_602 : vector<16xi1>, vector<16xi32>
        %add3A_604 = arith.addi %add3A_598, %select_n3A_603 : vector<16xi32>
        %gt3A_605 = arith.constant 20 : i32
        %gt3A_606 = arith.cmpi sgt, %scan3A_241, %gt3A_605 : i32
        %jit3A_607 = arith.constant 1 : i32
        %jit3A_608 = arith.constant 0 : i32
        %select_n3A_609 = arith.select %gt3A_606, %jit3A_607, %jit3A_608 : i32
        %gt3A_610 = arith.cmpf ogt, %get3A_158, %get3A_247 : vector<16xf32>
        %jit3A_611 = arith.constant 1 : i32
        %jit3A_612 = arith.constant 0 : i32
        %broadcast_in_dim3A_613 = vector.broadcast %jit3A_611 : i32 to vector<16xi32>
        %broadcast_in_dim3A_614 = vector.broadcast %jit3A_612 : i32 to vector<16xi32>
        %select_n3A_615 = arith.select %gt3A_610, %broadcast_in_dim3A_613, %broadcast_in_dim3A_614 : vector<16xi1>, vector<16xi32>
        %add3A_616 = arith.addi %add3A_604, %select_n3A_615 : vector<16xi32>
        %eq3A_617 = arith.cmpf oeq, %get3A_158, %get3A_247 : vector<16xf32>
        %jit3A_618 = arith.constant 0 : i32
        %broadcast_in_dim3A_619 = vector.broadcast %select_n3A_609 : i32 to vector<16xi32>
        %broadcast_in_dim3A_620 = vector.broadcast %jit3A_618 : i32 to vector<16xi32>
        %select_n3A_621 = arith.select %eq3A_617, %broadcast_in_dim3A_619, %broadcast_in_dim3A_620 : vector<16xi1>, vector<16xi32>
        %add3A_622 = arith.addi %add3A_616, %select_n3A_621 : vector<16xi32>
        %gt3A_623 = arith.constant 21 : i32
        %gt3A_624 = arith.cmpi sgt, %scan3A_241, %gt3A_623 : i32
        %jit3A_625 = arith.constant 1 : i32
        %jit3A_626 = arith.constant 0 : i32
        %select_n3A_627 = arith.select %gt3A_624, %jit3A_625, %jit3A_626 : i32
        %gt3A_628 = arith.cmpf ogt, %get3A_165, %get3A_247 : vector<16xf32>
        %jit3A_629 = arith.constant 1 : i32
        %jit3A_630 = arith.constant 0 : i32
        %broadcast_in_dim3A_631 = vector.broadcast %jit3A_629 : i32 to vector<16xi32>
        %broadcast_in_dim3A_632 = vector.broadcast %jit3A_630 : i32 to vector<16xi32>
        %select_n3A_633 = arith.select %gt3A_628, %broadcast_in_dim3A_631, %broadcast_in_dim3A_632 : vector<16xi1>, vector<16xi32>
        %add3A_634 = arith.addi %add3A_622, %select_n3A_633 : vector<16xi32>
        %eq3A_635 = arith.cmpf oeq, %get3A_165, %get3A_247 : vector<16xf32>
        %jit3A_636 = arith.constant 0 : i32
        %broadcast_in_dim3A_637 = vector.broadcast %select_n3A_627 : i32 to vector<16xi32>
        %broadcast_in_dim3A_638 = vector.broadcast %jit3A_636 : i32 to vector<16xi32>
        %select_n3A_639 = arith.select %eq3A_635, %broadcast_in_dim3A_637, %broadcast_in_dim3A_638 : vector<16xi1>, vector<16xi32>
        %add3A_640 = arith.addi %add3A_634, %select_n3A_639 : vector<16xi32>
        %gt3A_641 = arith.constant 22 : i32
        %gt3A_642 = arith.cmpi sgt, %scan3A_241, %gt3A_641 : i32
        %jit3A_643 = arith.constant 1 : i32
        %jit3A_644 = arith.constant 0 : i32
        %select_n3A_645 = arith.select %gt3A_642, %jit3A_643, %jit3A_644 : i32
        %gt3A_646 = arith.cmpf ogt, %get3A_172, %get3A_247 : vector<16xf32>
        %jit3A_647 = arith.constant 1 : i32
        %jit3A_648 = arith.constant 0 : i32
        %broadcast_in_dim3A_649 = vector.broadcast %jit3A_647 : i32 to vector<16xi32>
        %broadcast_in_dim3A_650 = vector.broadcast %jit3A_648 : i32 to vector<16xi32>
        %select_n3A_651 = arith.select %gt3A_646, %broadcast_in_dim3A_649, %broadcast_in_dim3A_650 : vector<16xi1>, vector<16xi32>
        %add3A_652 = arith.addi %add3A_640, %select_n3A_651 : vector<16xi32>
        %eq3A_653 = arith.cmpf oeq, %get3A_172, %get3A_247 : vector<16xf32>
        %jit3A_654 = arith.constant 0 : i32
        %broadcast_in_dim3A_655 = vector.broadcast %select_n3A_645 : i32 to vector<16xi32>
        %broadcast_in_dim3A_656 = vector.broadcast %jit3A_654 : i32 to vector<16xi32>
        %select_n3A_657 = arith.select %eq3A_653, %broadcast_in_dim3A_655, %broadcast_in_dim3A_656 : vector<16xi1>, vector<16xi32>
        %add3A_658 = arith.addi %add3A_652, %select_n3A_657 : vector<16xi32>
        %gt3A_659 = arith.constant 23 : i32
        %gt3A_660 = arith.cmpi sgt, %scan3A_241, %gt3A_659 : i32
        %jit3A_661 = arith.constant 1 : i32
        %jit3A_662 = arith.constant 0 : i32
        %select_n3A_663 = arith.select %gt3A_660, %jit3A_661, %jit3A_662 : i32
        %gt3A_664 = arith.cmpf ogt, %get3A_179, %get3A_247 : vector<16xf32>
        %jit3A_665 = arith.constant 1 : i32
        %jit3A_666 = arith.constant 0 : i32
        %broadcast_in_dim3A_667 = vector.broadcast %jit3A_665 : i32 to vector<16xi32>
        %broadcast_in_dim3A_668 = vector.broadcast %jit3A_666 : i32 to vector<16xi32>
        %select_n3A_669 = arith.select %gt3A_664, %broadcast_in_dim3A_667, %broadcast_in_dim3A_668 : vector<16xi1>, vector<16xi32>
        %add3A_670 = arith.addi %add3A_658, %select_n3A_669 : vector<16xi32>
        %eq3A_671 = arith.cmpf oeq, %get3A_179, %get3A_247 : vector<16xf32>
        %jit3A_672 = arith.constant 0 : i32
        %broadcast_in_dim3A_673 = vector.broadcast %select_n3A_663 : i32 to vector<16xi32>
        %broadcast_in_dim3A_674 = vector.broadcast %jit3A_672 : i32 to vector<16xi32>
        %select_n3A_675 = arith.select %eq3A_671, %broadcast_in_dim3A_673, %broadcast_in_dim3A_674 : vector<16xi1>, vector<16xi32>
        %add3A_676 = arith.addi %add3A_670, %select_n3A_675 : vector<16xi32>
        %gt3A_677 = arith.constant 24 : i32
        %gt3A_678 = arith.cmpi sgt, %scan3A_241, %gt3A_677 : i32
        %jit3A_679 = arith.constant 1 : i32
        %jit3A_680 = arith.constant 0 : i32
        %select_n3A_681 = arith.select %gt3A_678, %jit3A_679, %jit3A_680 : i32
        %gt3A_682 = arith.cmpf ogt, %get3A_186, %get3A_247 : vector<16xf32>
        %jit3A_683 = arith.constant 1 : i32
        %jit3A_684 = arith.constant 0 : i32
        %broadcast_in_dim3A_685 = vector.broadcast %jit3A_683 : i32 to vector<16xi32>
        %broadcast_in_dim3A_686 = vector.broadcast %jit3A_684 : i32 to vector<16xi32>
        %select_n3A_687 = arith.select %gt3A_682, %broadcast_in_dim3A_685, %broadcast_in_dim3A_686 : vector<16xi1>, vector<16xi32>
        %add3A_688 = arith.addi %add3A_676, %select_n3A_687 : vector<16xi32>
        %eq3A_689 = arith.cmpf oeq, %get3A_186, %get3A_247 : vector<16xf32>
        %jit3A_690 = arith.constant 0 : i32
        %broadcast_in_dim3A_691 = vector.broadcast %select_n3A_681 : i32 to vector<16xi32>
        %broadcast_in_dim3A_692 = vector.broadcast %jit3A_690 : i32 to vector<16xi32>
        %select_n3A_693 = arith.select %eq3A_689, %broadcast_in_dim3A_691, %broadcast_in_dim3A_692 : vector<16xi1>, vector<16xi32>
        %add3A_694 = arith.addi %add3A_688, %select_n3A_693 : vector<16xi32>
        %gt3A_695 = arith.constant 25 : i32
        %gt3A_696 = arith.cmpi sgt, %scan3A_241, %gt3A_695 : i32
        %jit3A_697 = arith.constant 1 : i32
        %jit3A_698 = arith.constant 0 : i32
        %select_n3A_699 = arith.select %gt3A_696, %jit3A_697, %jit3A_698 : i32
        %gt3A_700 = arith.cmpf ogt, %get3A_193, %get3A_247 : vector<16xf32>
        %jit3A_701 = arith.constant 1 : i32
        %jit3A_702 = arith.constant 0 : i32
        %broadcast_in_dim3A_703 = vector.broadcast %jit3A_701 : i32 to vector<16xi32>
        %broadcast_in_dim3A_704 = vector.broadcast %jit3A_702 : i32 to vector<16xi32>
        %select_n3A_705 = arith.select %gt3A_700, %broadcast_in_dim3A_703, %broadcast_in_dim3A_704 : vector<16xi1>, vector<16xi32>
        %add3A_706 = arith.addi %add3A_694, %select_n3A_705 : vector<16xi32>
        %eq3A_707 = arith.cmpf oeq, %get3A_193, %get3A_247 : vector<16xf32>
        %jit3A_708 = arith.constant 0 : i32
        %broadcast_in_dim3A_709 = vector.broadcast %select_n3A_699 : i32 to vector<16xi32>
        %broadcast_in_dim3A_710 = vector.broadcast %jit3A_708 : i32 to vector<16xi32>
        %select_n3A_711 = arith.select %eq3A_707, %broadcast_in_dim3A_709, %broadcast_in_dim3A_710 : vector<16xi1>, vector<16xi32>
        %add3A_712 = arith.addi %add3A_706, %select_n3A_711 : vector<16xi32>
        %gt3A_713 = arith.constant 26 : i32
        %gt3A_714 = arith.cmpi sgt, %scan3A_241, %gt3A_713 : i32
        %jit3A_715 = arith.constant 1 : i32
        %jit3A_716 = arith.constant 0 : i32
        %select_n3A_717 = arith.select %gt3A_714, %jit3A_715, %jit3A_716 : i32
        %gt3A_718 = arith.cmpf ogt, %get3A_200, %get3A_247 : vector<16xf32>
        %jit3A_719 = arith.constant 1 : i32
        %jit3A_720 = arith.constant 0 : i32
        %broadcast_in_dim3A_721 = vector.broadcast %jit3A_719 : i32 to vector<16xi32>
        %broadcast_in_dim3A_722 = vector.broadcast %jit3A_720 : i32 to vector<16xi32>
        %select_n3A_723 = arith.select %gt3A_718, %broadcast_in_dim3A_721, %broadcast_in_dim3A_722 : vector<16xi1>, vector<16xi32>
        %add3A_724 = arith.addi %add3A_712, %select_n3A_723 : vector<16xi32>
        %eq3A_725 = arith.cmpf oeq, %get3A_200, %get3A_247 : vector<16xf32>
        %jit3A_726 = arith.constant 0 : i32
        %broadcast_in_dim3A_727 = vector.broadcast %select_n3A_717 : i32 to vector<16xi32>
        %broadcast_in_dim3A_728 = vector.broadcast %jit3A_726 : i32 to vector<16xi32>
        %select_n3A_729 = arith.select %eq3A_725, %broadcast_in_dim3A_727, %broadcast_in_dim3A_728 : vector<16xi1>, vector<16xi32>
        %add3A_730 = arith.addi %add3A_724, %select_n3A_729 : vector<16xi32>
        %gt3A_731 = arith.constant 27 : i32
        %gt3A_732 = arith.cmpi sgt, %scan3A_241, %gt3A_731 : i32
        %jit3A_733 = arith.constant 1 : i32
        %jit3A_734 = arith.constant 0 : i32
        %select_n3A_735 = arith.select %gt3A_732, %jit3A_733, %jit3A_734 : i32
        %gt3A_736 = arith.cmpf ogt, %get3A_207, %get3A_247 : vector<16xf32>
        %jit3A_737 = arith.constant 1 : i32
        %jit3A_738 = arith.constant 0 : i32
        %broadcast_in_dim3A_739 = vector.broadcast %jit3A_737 : i32 to vector<16xi32>
        %broadcast_in_dim3A_740 = vector.broadcast %jit3A_738 : i32 to vector<16xi32>
        %select_n3A_741 = arith.select %gt3A_736, %broadcast_in_dim3A_739, %broadcast_in_dim3A_740 : vector<16xi1>, vector<16xi32>
        %add3A_742 = arith.addi %add3A_730, %select_n3A_741 : vector<16xi32>
        %eq3A_743 = arith.cmpf oeq, %get3A_207, %get3A_247 : vector<16xf32>
        %jit3A_744 = arith.constant 0 : i32
        %broadcast_in_dim3A_745 = vector.broadcast %select_n3A_735 : i32 to vector<16xi32>
        %broadcast_in_dim3A_746 = vector.broadcast %jit3A_744 : i32 to vector<16xi32>
        %select_n3A_747 = arith.select %eq3A_743, %broadcast_in_dim3A_745, %broadcast_in_dim3A_746 : vector<16xi1>, vector<16xi32>
        %add3A_748 = arith.addi %add3A_742, %select_n3A_747 : vector<16xi32>
        %gt3A_749 = arith.constant 28 : i32
        %gt3A_750 = arith.cmpi sgt, %scan3A_241, %gt3A_749 : i32
        %jit3A_751 = arith.constant 1 : i32
        %jit3A_752 = arith.constant 0 : i32
        %select_n3A_753 = arith.select %gt3A_750, %jit3A_751, %jit3A_752 : i32
        %gt3A_754 = arith.cmpf ogt, %get3A_214, %get3A_247 : vector<16xf32>
        %jit3A_755 = arith.constant 1 : i32
        %jit3A_756 = arith.constant 0 : i32
        %broadcast_in_dim3A_757 = vector.broadcast %jit3A_755 : i32 to vector<16xi32>
        %broadcast_in_dim3A_758 = vector.broadcast %jit3A_756 : i32 to vector<16xi32>
        %select_n3A_759 = arith.select %gt3A_754, %broadcast_in_dim3A_757, %broadcast_in_dim3A_758 : vector<16xi1>, vector<16xi32>
        %add3A_760 = arith.addi %add3A_748, %select_n3A_759 : vector<16xi32>
        %eq3A_761 = arith.cmpf oeq, %get3A_214, %get3A_247 : vector<16xf32>
        %jit3A_762 = arith.constant 0 : i32
        %broadcast_in_dim3A_763 = vector.broadcast %select_n3A_753 : i32 to vector<16xi32>
        %broadcast_in_dim3A_764 = vector.broadcast %jit3A_762 : i32 to vector<16xi32>
        %select_n3A_765 = arith.select %eq3A_761, %broadcast_in_dim3A_763, %broadcast_in_dim3A_764 : vector<16xi1>, vector<16xi32>
        %add3A_766 = arith.addi %add3A_760, %select_n3A_765 : vector<16xi32>
        %gt3A_767 = arith.constant 29 : i32
        %gt3A_768 = arith.cmpi sgt, %scan3A_241, %gt3A_767 : i32
        %jit3A_769 = arith.constant 1 : i32
        %jit3A_770 = arith.constant 0 : i32
        %select_n3A_771 = arith.select %gt3A_768, %jit3A_769, %jit3A_770 : i32
        %gt3A_772 = arith.cmpf ogt, %get3A_221, %get3A_247 : vector<16xf32>
        %jit3A_773 = arith.constant 1 : i32
        %jit3A_774 = arith.constant 0 : i32
        %broadcast_in_dim3A_775 = vector.broadcast %jit3A_773 : i32 to vector<16xi32>
        %broadcast_in_dim3A_776 = vector.broadcast %jit3A_774 : i32 to vector<16xi32>
        %select_n3A_777 = arith.select %gt3A_772, %broadcast_in_dim3A_775, %broadcast_in_dim3A_776 : vector<16xi1>, vector<16xi32>
        %add3A_778 = arith.addi %add3A_766, %select_n3A_777 : vector<16xi32>
        %eq3A_779 = arith.cmpf oeq, %get3A_221, %get3A_247 : vector<16xf32>
        %jit3A_780 = arith.constant 0 : i32
        %broadcast_in_dim3A_781 = vector.broadcast %select_n3A_771 : i32 to vector<16xi32>
        %broadcast_in_dim3A_782 = vector.broadcast %jit3A_780 : i32 to vector<16xi32>
        %select_n3A_783 = arith.select %eq3A_779, %broadcast_in_dim3A_781, %broadcast_in_dim3A_782 : vector<16xi1>, vector<16xi32>
        %add3A_784 = arith.addi %add3A_778, %select_n3A_783 : vector<16xi32>
        %gt3A_785 = arith.constant 30 : i32
        %gt3A_786 = arith.cmpi sgt, %scan3A_241, %gt3A_785 : i32
        %jit3A_787 = arith.constant 1 : i32
        %jit3A_788 = arith.constant 0 : i32
        %select_n3A_789 = arith.select %gt3A_786, %jit3A_787, %jit3A_788 : i32
        %gt3A_790 = arith.cmpf ogt, %get3A_228, %get3A_247 : vector<16xf32>
        %jit3A_791 = arith.constant 1 : i32
        %jit3A_792 = arith.constant 0 : i32
        %broadcast_in_dim3A_793 = vector.broadcast %jit3A_791 : i32 to vector<16xi32>
        %broadcast_in_dim3A_794 = vector.broadcast %jit3A_792 : i32 to vector<16xi32>
        %select_n3A_795 = arith.select %gt3A_790, %broadcast_in_dim3A_793, %broadcast_in_dim3A_794 : vector<16xi1>, vector<16xi32>
        %add3A_796 = arith.addi %add3A_784, %select_n3A_795 : vector<16xi32>
        %eq3A_797 = arith.cmpf oeq, %get3A_228, %get3A_247 : vector<16xf32>
        %jit3A_798 = arith.constant 0 : i32
        %broadcast_in_dim3A_799 = vector.broadcast %select_n3A_789 : i32 to vector<16xi32>
        %broadcast_in_dim3A_800 = vector.broadcast %jit3A_798 : i32 to vector<16xi32>
        %select_n3A_801 = arith.select %eq3A_797, %broadcast_in_dim3A_799, %broadcast_in_dim3A_800 : vector<16xi1>, vector<16xi32>
        %add3A_802 = arith.addi %add3A_796, %select_n3A_801 : vector<16xi32>
        %gt3A_803 = arith.constant 31 : i32
        %gt3A_804 = arith.cmpi sgt, %scan3A_241, %gt3A_803 : i32
        %jit3A_805 = arith.constant 1 : i32
        %jit3A_806 = arith.constant 0 : i32
        %select_n3A_807 = arith.select %gt3A_804, %jit3A_805, %jit3A_806 : i32
        %gt3A_808 = arith.cmpf ogt, %get3A_235, %get3A_247 : vector<16xf32>
        %jit3A_809 = arith.constant 1 : i32
        %jit3A_810 = arith.constant 0 : i32
        %broadcast_in_dim3A_811 = vector.broadcast %jit3A_809 : i32 to vector<16xi32>
        %broadcast_in_dim3A_812 = vector.broadcast %jit3A_810 : i32 to vector<16xi32>
        %select_n3A_813 = arith.select %gt3A_808, %broadcast_in_dim3A_811, %broadcast_in_dim3A_812 : vector<16xi1>, vector<16xi32>
        %add3A_814 = arith.addi %add3A_802, %select_n3A_813 : vector<16xi32>
        %eq3A_815 = arith.cmpf oeq, %get3A_235, %get3A_247 : vector<16xf32>
        %jit3A_816 = arith.constant 0 : i32
        %broadcast_in_dim3A_817 = vector.broadcast %select_n3A_807 : i32 to vector<16xi32>
        %broadcast_in_dim3A_818 = vector.broadcast %jit3A_816 : i32 to vector<16xi32>
        %select_n3A_819 = arith.select %eq3A_815, %broadcast_in_dim3A_817, %broadcast_in_dim3A_818 : vector<16xi1>, vector<16xi32>
        %add3A_820 = arith.addi %add3A_814, %select_n3A_819 : vector<16xi32>
        %lt3A = arith.constant 16 : i32
        %lt3A_821 = vector.broadcast %lt3A : i32 to vector<16xi32>
        %lt3A_822 = arith.cmpi slt, %add3A_820, %lt3A_821 : vector<16xi32>
        %jit3A_823 = arith.constant 1.000000e+00 : f32
        %jit3A_824 = arith.constant 0.000000e+00 : f32
        %broadcast_in_dim3A_825 = vector.broadcast %jit3A_823 : f32 to vector<16xf32>
        %broadcast_in_dim3A_826 = vector.broadcast %jit3A_824 : f32 to vector<16xf32>
        %select_n3A_827 = arith.select %lt3A_822, %broadcast_in_dim3A_825, %broadcast_in_dim3A_826 : vector<16xi1>, vector<16xf32>
        %le3A = vector.broadcast %scan3A_241 : i32 to vector<16xi32>
        %le3A_828 = arith.cmpi sle, %le3A, %shift_right_logical3A_12 : vector<16xi32>
        %jit3A_829 = arith.constant 1.000000e+00 : f32
        %jit3A_830 = arith.constant 0.000000e+00 : f32
        %broadcast_in_dim3A_831 = vector.broadcast %jit3A_829 : f32 to vector<16xf32>
        %broadcast_in_dim3A_832 = vector.broadcast %jit3A_830 : f32 to vector<16xf32>
        %select_n3A_833 = arith.select %le3A_828, %broadcast_in_dim3A_831, %broadcast_in_dim3A_832 : vector<16xi1>, vector<16xf32>
        %mul3A_834 = arith.mulf %select_n3A_827, %select_n3A_833 : vector<16xf32>
        %mul3A_835 = arith.constant 16 : i32
        %mul3A_836 = arith.muli %scan3A_6, %mul3A_835 : i32
        %swap3A = arith.index_cast %scan3A_241 : i32 to index
        %swap3A_837 = arith.index_cast %mul3A_836 : i32 to index
        %swap3A_838 = tpu.vector_load %arg5[%swap3A, %swap3A_837] {strides = array<i32>} : memref<32x128xf32, #tpu.memory_space<vmem>>, vector<1x16xf32>,
        %swap3A_839 = vector.shape_cast %swap3A_838 : vector<1x16xf32> to vector<16xf32>
        %swap3A_840 = vector.shape_cast %mul3A_834 : vector<16xf32> to vector<1x16xf32>
        tpu.vector_store %arg5[%swap3A, %swap3A_837], %swap3A_840 {strides = array<i32>} : memref<32x128xf32, #tpu.memory_space<vmem>>, vector<1x16xf32>,
      }
      %scan3A_240 = arith.constant 32 : i32
    }
    %scan3A_5 = arith.constant 8 : i32
    "tpu.region"() ({
      %run_scoped3A = tpu.sem_alloc : memref<!tpu.dma_semaphore, #tpu.memory_space<semaphore_mem>>
      %dma_start3A = arith.constant 0 : i32
      %dma_start3A_6 = tpu.memref_slice %arg3[%arg0, %dma_start3A, %mul3A_0] : memref<2x32x2048xf32, #tpu.memory_space<hbm>> -> memref<1x32x128xf32, #tpu.memory_space<hbm>>
      %dma_start3A_7 = tpu.memref_squeeze %dma_start3A_6 : memref<1x32x128xf32, #tpu.memory_space<hbm>> -> memref<32x128xf32, #tpu.memory_space<hbm>>
      %dma_start3A_8 = arith.constant 0 : i32
      %dma_start3A_9 = tpu.memref_slice %arg3[%arg0, %dma_start3A_8, %mul3A_0] : memref<2x32x2048xf32, #tpu.memory_space<hbm>> -> memref<1x32x128xf32, #tpu.memory_space<hbm>>
      %dma_start3A_10 = tpu.memref_squeeze %dma_start3A_9 : memref<1x32x128xf32, #tpu.memory_space<hbm>> -> memref<32x128xf32, #tpu.memory_space<hbm>>
      tpu.enqueue_dma source(%arg5 : memref<32x128xf32, #tpu.memory_space<vmem>>) target(%dma_start3A_10 : memref<32x128xf32, #tpu.memory_space<hbm>>) target_semaphore(%run_scoped3A : memref<!tpu.dma_semaphore, #tpu.memory_space<semaphore_mem>>)
      %dma_wait3A = arith.constant 0 : i32
      %dma_wait3A_11 = tpu.memref_slice %arg3[%arg0, %dma_wait3A, %mul3A_0] : memref<2x32x2048xf32, #tpu.memory_space<hbm>> -> memref<1x32x128xf32, #tpu.memory_space<hbm>>
      %dma_wait3A_12 = tpu.memref_squeeze %dma_wait3A_11 : memref<1x32x128xf32, #tpu.memory_space<hbm>> -> memref<32x128xf32, #tpu.memory_space<hbm>>
      %dma_wait3A_13 = arith.constant 0 : i32
      %dma_wait3A_14 = tpu.memref_slice %arg3[%arg0, %dma_wait3A_13, %mul3A_0] : memref<2x32x2048xf32, #tpu.memory_space<hbm>> -> memref<1x32x128xf32, #tpu.memory_space<hbm>>
      %dma_wait3A_15 = tpu.memref_squeeze %dma_wait3A_14 : memref<1x32x128xf32, #tpu.memory_space<hbm>> -> memref<32x128xf32, #tpu.memory_space<hbm>>
      tpu.wait_dma2 semaphore(%run_scoped3A : memref<!tpu.dma_semaphore, #tpu.memory_space<semaphore_mem>>) src(%arg5 : memref<32x128xf32, #tpu.memory_space<vmem>>) dst(%dma_wait3A_15 : memref<32x128xf32, #tpu.memory_space<hbm>>)
      tpu.yield
    }) : () -> ()
    return
  }
}

module attributes {stable_mosaic.version = 14 : i64} {
  func.func @_kcmp_body(%arg0: i32, %arg1: memref<1x2048x128xf32, #tpu.memory_space<vmem>>, %arg2: memref<1x128x128xbf16, #tpu.memory_space<vmem>>) attributes {dimension_semantics = [#tpu.dimension_semantics<arbitrary>], iteration_bounds = array<i64: 2>, scalar_prefetch = 0 : i64, scratch_operands = 0 : i64, tpu.core_type = #tpu.core_type<tc>, window_params = [{transform_indices = @transform_0, window_bounds = array<i64: 1, 2048, 128>}, {transform_indices = @transform_1, window_bounds = array<i64: 1, 128, 128>}]} {
    %get3A = arith.constant 0 : index
    %get3A_0 = arith.constant 0 : index
    %get3A_1 = arith.constant 0 : index
    %get3A_2 = vector.load %arg1[%get3A, %get3A_0, %get3A_1] : memref<1x2048x128xf32, #tpu.memory_space<vmem>>, vector<1x2048x128xf32>
    %get3A_3 = vector.shape_cast %get3A_2 : vector<1x2048x128xf32> to vector<2048x128xf32>
    %reshape3A = vector.shape_cast %get3A_3 : vector<2048x128xf32> to vector<128x16x128xf32>
    %reduce_sum3A = arith.constant dense<0.000000e+00> : vector<128x128xf32>
    %reduce_sum3A_4 = vector.multi_reduction <add>, %reshape3A, %reduce_sum3A [1] : vector<128x16x128xf32> to vector<128x128xf32>
    %slice3A = vector.extract_strided_slice %reduce_sum3A_4 {offsets = [1, 0], sizes = [127, 128], strides = [1, 1]} : vector<128x128xf32> to vector<127x128xf32>
    %slice3A_5 = vector.extract_strided_slice %reduce_sum3A_4 {offsets = [0, 0], sizes = [1, 128], strides = [1, 1]} : vector<128x128xf32> to vector<1x128xf32>
    %concatenate3A = tpu.concatenate %slice3A, %slice3A_5 in 0 : vector<127x128xf32>, vector<1x128xf32> -> vector<128x128xf32>
    %add3A = arith.addf %reduce_sum3A_4, %concatenate3A : vector<128x128xf32>
    %mul3A = arith.constant 3.125000e-02 : f32
    %mul3A_6 = vector.broadcast %mul3A : f32 to vector<128x128xf32>
    %mul3A_7 = arith.mulf %add3A, %mul3A_6 : vector<128x128xf32>
    %convert_element_type3A = arith.truncf %mul3A_7 : vector<128x128xf32> to vector<128x128xbf16>
    %swap3A = arith.constant 0 : index
    %swap3A_8 = arith.constant 0 : index
    %swap3A_9 = arith.constant 0 : index
    %swap3A_10 = vector.load %arg2[%swap3A, %swap3A_8, %swap3A_9] : memref<1x128x128xbf16, #tpu.memory_space<vmem>>, vector<1x128x128xbf16>
    %swap3A_11 = vector.shape_cast %swap3A_10 : vector<1x128x128xbf16> to vector<128x128xbf16>
    %swap3A_12 = vector.shape_cast %convert_element_type3A : vector<128x128xbf16> to vector<1x128x128xbf16>
    tpu.vector_store %arg2[%swap3A, %swap3A_8, %swap3A_9], %swap3A_12 {strides = array<i32>} : memref<1x128x128xbf16, #tpu.memory_space<vmem>>, vector<1x128x128xbf16>,
    return
  }
  func.func @transform_0(%arg0: i32) -> (i32, i32, i32) {
    %c0_i32 = arith.constant 0 : i32
    %c0_i32_0 = arith.constant 0 : i32
    %c0_i32_1 = arith.constant 0 : i32
    return %arg0, %c0_i32, %c0_i32_0 : i32, i32, i32
  }
  func.func @transform_1(%arg0: i32) -> (i32, i32, i32) {
    %c0_i32 = arith.constant 0 : i32
    %c0_i32_0 = arith.constant 0 : i32
    %c0_i32_1 = arith.constant 0 : i32
    return %arg0, %c0_i32, %c0_i32_0 : i32, i32, i32
  }
}

module attributes {stable_mosaic.version = 14 : i64} {
  func.func @_select_body(%arg0: i32, %arg1: i32, %arg2: memref<8x256x128xbf16, #tpu.memory_space<vmem>>, %arg3: memref<1x128x128xbf16, #tpu.memory_space<vmem>>, %arg4: memref<1x32x256xf32, #tpu.memory_space<vmem>>) attributes {dimension_semantics = [#tpu.dimension_semantics<arbitrary>, #tpu.dimension_semantics<arbitrary>], iteration_bounds = array<i64: 2, 8>, scalar_prefetch = 0 : i64, scratch_operands = 0 : i64, tpu.core_type = #tpu.core_type<tc>, window_params = [{transform_indices = @transform_0, window_bounds = array<i64: 8, 256, 128>}, {transform_indices = @transform_1, window_bounds = array<i64: 1, 128, 128>}, {transform_indices = @transform_2, window_bounds = array<i64: 1, 32, 256>}]} {
    %get3A = arith.constant 0 : index
    %get3A_0 = arith.constant 0 : index
    %get3A_1 = arith.constant 0 : index
    %get3A_2 = vector.load %arg2[%get3A, %get3A_0, %get3A_1] : memref<8x256x128xbf16, #tpu.memory_space<vmem>>, vector<8x256x128xbf16>
    %get3A_3 = arith.constant 0 : index
    %get3A_4 = arith.constant 0 : index
    %get3A_5 = arith.constant 0 : index
    %get3A_6 = vector.load %arg3[%get3A_3, %get3A_4, %get3A_5] : memref<1x128x128xbf16, #tpu.memory_space<vmem>>, vector<1x128x128xbf16>
    %get3A_7 = vector.shape_cast %get3A_6 : vector<1x128x128xbf16> to vector<128x128xbf16>
    %dot_general3A = arith.constant dense<0.000000e+00> : vector<8x256x128xf32>
    %dot_general3A_8 = tpu.matmul %get3A_2, %get3A_7, %dot_general3A {dimension_numbers = #tpu.dot_dimension_numbers<[2], [1], [0, 1], [0], [0, 0, 0, 1, 1, 0], [], []>, transpose_lhs_hint = false} : vector<8x256x128xbf16>, vector<128x128xbf16>, vector<8x256x128xf32> -> vector<8x256x128xf32>
    %mul3A = arith.constant 0.0883883461 : f32
    %mul3A_9 = vector.broadcast %mul3A : f32 to vector<8x256x128xf32>
    %mul3A_10 = arith.mulf %dot_general3A_8, %mul3A_9 : vector<8x256x128xf32>
    %mul3A_11 = arith.constant 256 : i32
    %mul3A_12 = arith.muli %arg1, %mul3A_11 : i32
    %iota3A = tpu.iota {dimensions = array<i32: 0>} : vector<256x128xi32>
    %add3A = vector.broadcast %mul3A_12 : i32 to vector<256x128xi32>
    %add3A_13 = arith.addi %add3A, %iota3A : vector<256x128xi32>
    %iota3A_14 = tpu.iota {dimensions = array<i32: 1>} : vector<256x128xi32>
    %mul3A_15 = arith.constant 16 : i32
    %mul3A_16 = vector.broadcast %mul3A_15 : i32 to vector<256x128xi32>
    %mul3A_17 = arith.muli %iota3A_14, %mul3A_16 : vector<256x128xi32>
    %add3A_18 = arith.constant 31 : i32
    %add3A_19 = vector.broadcast %add3A_18 : i32 to vector<256x128xi32>
    %add3A_20 = arith.addi %mul3A_17, %add3A_19 : vector<256x128xi32>
    %le3A = arith.cmpi sle, %add3A_20, %add3A_13 : vector<256x128xi32>
    %broadcast_in_dim3A = vector.shape_cast %le3A : vector<256x128xi1> to vector<1x256x128xi1>
    %jit3A = arith.constant -1.000000e+30 : f32
    %broadcast_in_dim3A_21 = vector.shape_cast %broadcast_in_dim3A : vector<1x256x128xi1> to vector<1x256x128xi1>
    %broadcast_in_dim3A_22 = vector.broadcast %broadcast_in_dim3A_21 : vector<1x256x128xi1> to vector<8x256x128xi1>
    %broadcast_in_dim3A_23 = vector.broadcast %jit3A : f32 to vector<8x256x128xf32>
    %select_n3A = arith.select %broadcast_in_dim3A_22, %mul3A_10, %broadcast_in_dim3A_23 : vector<8x256x128xi1>, vector<8x256x128xf32>
    %reduce_max3A = arith.constant dense<0xFF800000> : vector<8x256xf32>
    %reduce_max3A_24 = vector.multi_reduction <maximumf>, %select_n3A, %reduce_max3A [2] : vector<8x256x128xf32> to vector<8x256xf32>
    %broadcast_in_dim3A_25 = vector.shape_cast %reduce_max3A_24 : vector<8x256xf32> to vector<8x256x1xf32>
    %sub3A = vector.broadcast %broadcast_in_dim3A_25 : vector<8x256x1xf32> to vector<8x256x128xf32>
    %sub3A_26 = arith.subf %select_n3A, %sub3A : vector<8x256x128xf32>
    %exp3A = math.exp %sub3A_26 : vector<8x256x128xf32>
    %broadcast_in_dim3A_27 = vector.shape_cast %le3A : vector<256x128xi1> to vector<1x256x128xi1>
    %jit3A_28 = arith.constant 0.000000e+00 : f32
    %broadcast_in_dim3A_29 = vector.shape_cast %broadcast_in_dim3A_27 : vector<1x256x128xi1> to vector<1x256x128xi1>
    %broadcast_in_dim3A_30 = vector.broadcast %broadcast_in_dim3A_29 : vector<1x256x128xi1> to vector<8x256x128xi1>
    %broadcast_in_dim3A_31 = vector.broadcast %jit3A_28 : f32 to vector<8x256x128xf32>
    %select_n3A_32 = arith.select %broadcast_in_dim3A_30, %exp3A, %broadcast_in_dim3A_31 : vector<8x256x128xi1>, vector<8x256x128xf32>
    %reduce_sum3A = arith.constant dense<0.000000e+00> : vector<8x256xf32>
    %reduce_sum3A_33 = vector.multi_reduction <add>, %select_n3A_32, %reduce_sum3A [2] : vector<8x256x128xf32> to vector<8x256xf32>
    %broadcast_in_dim3A_34 = vector.shape_cast %reduce_sum3A_33 : vector<8x256xf32> to vector<8x256x1xf32>
    %max3A = arith.constant 1.000000e-30 : f32
    %max3A_35 = vector.broadcast %max3A : f32 to vector<8x256x1xf32>
    %max3A_36 = arith.maximumf %broadcast_in_dim3A_34, %max3A_35 : vector<8x256x1xf32>
    %div3A = vector.broadcast %max3A_36 : vector<8x256x1xf32> to vector<8x256x128xf32>
    %div3A_37 = arith.divf %select_n3A_32, %div3A : vector<8x256x128xf32>
    %reduce_sum3A_38 = arith.constant dense<0.000000e+00> : vector<256x128xf32>
    %reduce_sum3A_39 = vector.multi_reduction <add>, %div3A_37, %reduce_sum3A_38 [0] : vector<8x256x128xf32> to vector<256x128xf32>
    %transpose3A = tpu.transpose %reduce_sum3A_39, [1, 0] : vector<256x128xf32> -> vector<128x256xf32>
    %reshape3A = vector.shape_cast %transpose3A : vector<128x256xf32> to vector<32x4x256xf32>
    %reduce_max3A_40 = arith.constant dense<0xFF800000> : vector<32x256xf32>
    %reduce_max3A_41 = vector.multi_reduction <maximumf>, %reshape3A, %reduce_max3A_40 [1] : vector<32x4x256xf32> to vector<32x256xf32>
    %iota3A_42 = tpu.iota {dimensions = array<i32: 0>} : vector<32x256xi32>
    %mul3A_43 = arith.constant 256 : i32
    %mul3A_44 = arith.muli %arg1, %mul3A_43 : i32
    %iota3A_45 = tpu.iota {dimensions = array<i32: 1>} : vector<32x256xi32>
    %add3A_46 = vector.broadcast %mul3A_44 : i32 to vector<32x256xi32>
    %add3A_47 = arith.addi %add3A_46, %iota3A_45 : vector<32x256xi32>
    %jit3A_48 = arith.constant 64 : i32
    %div3A_49 = vector.broadcast %jit3A_48 : i32 to vector<32x256xi32>
    %div3A_50 = arith.divsi %add3A_47, %div3A_49 : vector<32x256xi32>
    %sign3A = arith.constant 0 : i32
    %sign3A_51 = vector.broadcast %sign3A : i32 to vector<32x256xi32>
    %sign3A_52 = arith.cmpi sgt, %add3A_47, %sign3A_51 : vector<32x256xi32>
    %sign3A_53 = arith.extui %sign3A_52 : vector<32x256xi1> to vector<32x256xi32>
    %sign3A_54 = arith.constant 0 : i32
    %sign3A_55 = vector.broadcast %sign3A_54 : i32 to vector<32x256xi32>
    %sign3A_56 = arith.cmpi slt, %add3A_47, %sign3A_55 : vector<32x256xi32>
    %sign3A_57 = arith.extui %sign3A_56 : vector<32x256xi1> to vector<32x256xi32>
    %sign3A_58 = arith.subi %sign3A_53, %sign3A_57 : vector<32x256xi32>
    %sign3A_59 = arith.constant 0 : i32
    %sign3A_60 = arith.cmpi sgt, %jit3A_48, %sign3A_59 : i32
    %sign3A_61 = arith.extui %sign3A_60 : i1 to i32
    %sign3A_62 = arith.constant 0 : i32
    %sign3A_63 = arith.cmpi slt, %jit3A_48, %sign3A_62 : i32
    %sign3A_64 = arith.extui %sign3A_63 : i1 to i32
    %sign3A_65 = arith.subi %sign3A_61, %sign3A_64 : i32
    %ne3A = vector.broadcast %sign3A_65 : i32 to vector<32x256xi32>
    %ne3A_66 = arith.cmpi ne, %sign3A_58, %ne3A : vector<32x256xi32>
    %rem3A = vector.broadcast %jit3A_48 : i32 to vector<32x256xi32>
    %rem3A_67 = arith.remsi %add3A_47, %rem3A : vector<32x256xi32>
    %ne3A_68 = arith.constant 0 : i32
    %ne3A_69 = vector.broadcast %ne3A_68 : i32 to vector<32x256xi32>
    %ne3A_70 = arith.cmpi ne, %rem3A_67, %ne3A_69 : vector<32x256xi32>
    %and3A = arith.andi %ne3A_66, %ne3A_70 : vector<32x256xi1>
    %sub3A_71 = arith.constant 1 : i32
    %sub3A_72 = vector.broadcast %sub3A_71 : i32 to vector<32x256xi32>
    %sub3A_73 = arith.subi %div3A_50, %sub3A_72 : vector<32x256xi32>
    %select_n3A_74 = arith.select %and3A, %sub3A_73, %div3A_50 : vector<32x256xi1>, vector<32x256xi32>
    %lt3A = arith.constant 1 : i32
    %lt3A_75 = vector.broadcast %lt3A : i32 to vector<32x256xi32>
    %lt3A_76 = arith.cmpi slt, %iota3A_42, %lt3A_75 : vector<32x256xi32>
    %le3A_77 = arith.cmpi sle, %iota3A_42, %select_n3A_74 : vector<32x256xi32>
    %sub3A_78 = arith.constant 2 : i32
    %sub3A_79 = vector.broadcast %sub3A_78 : i32 to vector<32x256xi32>
    %sub3A_80 = arith.subi %select_n3A_74, %sub3A_79 : vector<32x256xi32>
    %gt3A = arith.cmpi sgt, %iota3A_42, %sub3A_80 : vector<32x256xi32>
    %and3A_81 = arith.andi %le3A_77, %gt3A : vector<32x256xi1>
    %or3A = arith.ori %lt3A_76, %and3A_81 : vector<32x256xi1>
    %jit3A_82 = arith.constant 1.000000e+09 : f32
    %broadcast_in_dim3A_83 = vector.broadcast %jit3A_82 : f32 to vector<32x256xf32>
    %select_n3A_84 = arith.select %or3A, %broadcast_in_dim3A_83, %reduce_max3A_41 : vector<32x256xi1>, vector<32x256xf32>
    %swap3A = arith.constant 0 : index
    %swap3A_85 = arith.constant 0 : index
    %swap3A_86 = arith.constant 0 : index
    %swap3A_87 = vector.load %arg4[%swap3A, %swap3A_85, %swap3A_86] : memref<1x32x256xf32, #tpu.memory_space<vmem>>, vector<1x32x256xf32>
    %swap3A_88 = vector.shape_cast %swap3A_87 : vector<1x32x256xf32> to vector<32x256xf32>
    %swap3A_89 = vector.shape_cast %select_n3A_84 : vector<32x256xf32> to vector<1x32x256xf32>
    tpu.vector_store %arg4[%swap3A, %swap3A_85, %swap3A_86], %swap3A_89 {strides = array<i32>} : memref<1x32x256xf32, #tpu.memory_space<vmem>>, vector<1x32x256xf32>,
    return
  }
  func.func @transform_0(%arg0: i32, %arg1: i32) -> (i32, i32, i32) {
    %c0_i32 = arith.constant 0 : i32
    %c0_i32_0 = arith.constant 0 : i32
    return %arg0, %arg1, %c0_i32 : i32, i32, i32
  }
  func.func @transform_1(%arg0: i32, %arg1: i32) -> (i32, i32, i32) {
    %c0_i32 = arith.constant 0 : i32
    %c0_i32_0 = arith.constant 0 : i32
    %c0_i32_1 = arith.constant 0 : i32
    return %arg0, %c0_i32, %c0_i32_0 : i32, i32, i32
  }
  func.func @transform_2(%arg0: i32, %arg1: i32) -> (i32, i32, i32) {
    %c0_i32 = arith.constant 0 : i32
    %c0_i32_0 = arith.constant 0 : i32
    return %arg0, %c0_i32, %arg1 : i32, i32, i32
  }
}

module attributes {stable_mosaic.version = 14 : i64} {
  func.func @_flash_body(%arg0: i32, %arg1: i32, %arg2: memref<8x256x128xbf16, #tpu.memory_space<vmem>>, %arg3: memref<1x2048x128xbf16, #tpu.memory_space<vmem>>, %arg4: memref<1x2048x128xbf16, #tpu.memory_space<vmem>>, %arg5: memref<1x32x256xf32, #tpu.memory_space<vmem>>, %arg6: memref<8x256x128xf32, #tpu.memory_space<vmem>>) attributes {dimension_semantics = [#tpu.dimension_semantics<arbitrary>, #tpu.dimension_semantics<arbitrary>], iteration_bounds = array<i64: 2, 8>, scalar_prefetch = 0 : i64, scratch_operands = 0 : i64, tpu.core_type = #tpu.core_type<tc>, window_params = [{transform_indices = @transform_0, window_bounds = array<i64: 8, 256, 128>}, {transform_indices = @transform_1, window_bounds = array<i64: 1, 2048, 128>}, {transform_indices = @transform_2, window_bounds = array<i64: 1, 2048, 128>}, {transform_indices = @transform_3, window_bounds = array<i64: 1, 32, 256>}, {transform_indices = @transform_4, window_bounds = array<i64: 8, 256, 128>}]} {
    %get3A = arith.constant 0 : index
    %get3A_0 = arith.constant 0 : index
    %get3A_1 = arith.constant 0 : index
    %get3A_2 = vector.load %arg2[%get3A, %get3A_0, %get3A_1] : memref<8x256x128xbf16, #tpu.memory_space<vmem>>, vector<8x256x128xbf16>
    %get3A_3 = arith.constant 0 : index
    %get3A_4 = arith.constant 0 : index
    %get3A_5 = arith.constant 0 : index
    %get3A_6 = vector.load %arg5[%get3A_3, %get3A_4, %get3A_5] : memref<1x32x256xf32, #tpu.memory_space<vmem>>, vector<1x32x256xf32>
    %get3A_7 = vector.shape_cast %get3A_6 : vector<1x32x256xf32> to vector<32x256xf32>
    %mul3A = arith.constant 256 : i32
    %mul3A_8 = arith.muli %arg1, %mul3A : i32
    %iota3A = tpu.iota {dimensions = array<i32: 0>} : vector<256x512xi32>
    %add3A = vector.broadcast %mul3A_8 : i32 to vector<256x512xi32>
    %add3A_9 = arith.addi %add3A, %iota3A : vector<256x512xi32>
    %iota3A_10 = tpu.iota {dimensions = array<i32: 1>} : vector<256x512xi32>
    %iota3A_11 = tpu.iota {dimensions = array<i32: 0>} : vector<32x512xi32>
    %iota3A_12 = tpu.iota {dimensions = array<i32: 1>} : vector<32x512xi32>
    %jit3A = arith.constant 64 : i32
    %div3A = vector.broadcast %jit3A : i32 to vector<32x512xi32>
    %div3A_13 = arith.divsi %iota3A_12, %div3A : vector<32x512xi32>
    %sign3A = arith.constant 0 : i32
    %sign3A_14 = vector.broadcast %sign3A : i32 to vector<32x512xi32>
    %sign3A_15 = arith.cmpi sgt, %iota3A_12, %sign3A_14 : vector<32x512xi32>
    %sign3A_16 = arith.extui %sign3A_15 : vector<32x512xi1> to vector<32x512xi32>
    %sign3A_17 = arith.constant 0 : i32
    %sign3A_18 = vector.broadcast %sign3A_17 : i32 to vector<32x512xi32>
    %sign3A_19 = arith.cmpi slt, %iota3A_12, %sign3A_18 : vector<32x512xi32>
    %sign3A_20 = arith.extui %sign3A_19 : vector<32x512xi1> to vector<32x512xi32>
    %sign3A_21 = arith.subi %sign3A_16, %sign3A_20 : vector<32x512xi32>
    %sign3A_22 = arith.constant 0 : i32
    %sign3A_23 = arith.cmpi sgt, %jit3A, %sign3A_22 : i32
    %sign3A_24 = arith.extui %sign3A_23 : i1 to i32
    %sign3A_25 = arith.constant 0 : i32
    %sign3A_26 = arith.cmpi slt, %jit3A, %sign3A_25 : i32
    %sign3A_27 = arith.extui %sign3A_26 : i1 to i32
    %sign3A_28 = arith.subi %sign3A_24, %sign3A_27 : i32
    %ne3A = vector.broadcast %sign3A_28 : i32 to vector<32x512xi32>
    %ne3A_29 = arith.cmpi ne, %sign3A_21, %ne3A : vector<32x512xi32>
    %rem3A = vector.broadcast %jit3A : i32 to vector<32x512xi32>
    %rem3A_30 = arith.remsi %iota3A_12, %rem3A : vector<32x512xi32>
    %ne3A_31 = arith.constant 0 : i32
    %ne3A_32 = vector.broadcast %ne3A_31 : i32 to vector<32x512xi32>
    %ne3A_33 = arith.cmpi ne, %rem3A_30, %ne3A_32 : vector<32x512xi32>
    %and3A = arith.andi %ne3A_29, %ne3A_33 : vector<32x512xi1>
    %sub3A = arith.constant 1 : i32
    %sub3A_34 = vector.broadcast %sub3A : i32 to vector<32x512xi32>
    %sub3A_35 = arith.subi %div3A_13, %sub3A_34 : vector<32x512xi32>
    %select_n3A = arith.select %and3A, %sub3A_35, %div3A_13 : vector<32x512xi1>, vector<32x512xi32>
    %broadcast_in_dim3A = arith.constant 0.000000e+00 : f32
    %broadcast_in_dim3A_36 = vector.broadcast %broadcast_in_dim3A : f32 to vector<8x256x1xf32>
    %broadcast_in_dim3A_37 = arith.constant 0.000000e+00 : f32
    %broadcast_in_dim3A_38 = vector.broadcast %broadcast_in_dim3A_37 : f32 to vector<8x256x128xf32>
    %jit3A_39 = arith.constant 2 : i32
    %div3A_40 = arith.divsi %arg1, %jit3A_39 : i32
    %sign3A_41 = arith.constant 0 : i32
    %sign3A_42 = arith.cmpi sgt, %arg1, %sign3A_41 : i32
    %sign3A_43 = arith.extui %sign3A_42 : i1 to i32
    %sign3A_44 = arith.constant 0 : i32
    %sign3A_45 = arith.cmpi slt, %arg1, %sign3A_44 : i32
    %sign3A_46 = arith.extui %sign3A_45 : i1 to i32
    %sign3A_47 = arith.subi %sign3A_43, %sign3A_46 : i32
    %sign3A_48 = arith.constant 0 : i32
    %sign3A_49 = arith.cmpi sgt, %jit3A_39, %sign3A_48 : i32
    %sign3A_50 = arith.extui %sign3A_49 : i1 to i32
    %sign3A_51 = arith.constant 0 : i32
    %sign3A_52 = arith.cmpi slt, %jit3A_39, %sign3A_51 : i32
    %sign3A_53 = arith.extui %sign3A_52 : i1 to i32
    %sign3A_54 = arith.subi %sign3A_50, %sign3A_53 : i32
    %ne3A_55 = arith.cmpi ne, %sign3A_47, %sign3A_54 : i32
    %rem3A_56 = arith.remsi %arg1, %jit3A_39 : i32
    %ne3A_57 = arith.constant 0 : i32
    %ne3A_58 = arith.cmpi ne, %rem3A_56, %ne3A_57 : i32
    %and3A_59 = arith.andi %ne3A_55, %ne3A_58 : i1
    %sub3A_60 = arith.constant 1 : i32
    %sub3A_61 = arith.subi %div3A_40, %sub3A_60 : i32
    %select_n3A_62 = arith.select %and3A_59, %sub3A_61, %div3A_40 : i32
    %add3A_63 = arith.constant 1 : i32
    %add3A_64 = arith.addi %select_n3A_62, %add3A_63 : i32
    %while3A = arith.constant 0 : i32
    %while3A_65 = arith.subi %add3A_64, %while3A : i32
    %while3A_66 = arith.addi %while3A, %while3A_65 : i32
    %while3A_67 = arith.constant 1 : i32
    %while3A_68 = arith.divsi %while3A_65, %while3A_67 : i32
    %while3A_69 = arith.muli %while3A_68, %while3A_67 : i32
    %while3A_70 = arith.addi %while3A, %while3A_69 : i32
    %while3A_71 = arith.constant 1 : i32
    %while3A_72:2 = scf.for %while3A_80 = %while3A to %while3A_70 step %while3A_71 iter_args(%while3A_81 = %broadcast_in_dim3A_36, %while3A_82 = %broadcast_in_dim3A_38) -> (vector<8x256x1xf32>, vector<8x256x128xf32>)  : i32 {
      %mul3A_83 = arith.constant 512 : i32
      %mul3A_84 = arith.muli %while3A_80, %mul3A_83 : i32
      %get3A_85 = arith.constant 0 : index
      %get3A_86 = arith.index_cast %mul3A_84 : i32 to index
      %get3A_87 = arith.constant 0 : index
      %get3A_88 = vector.load %arg3[%get3A_85, %get3A_86, %get3A_87] : memref<1x2048x128xbf16, #tpu.memory_space<vmem>>, vector<1x512x128xbf16>
      %get3A_89 = vector.shape_cast %get3A_88 : vector<1x512x128xbf16> to vector<512x128xbf16>
      %mul3A_90 = arith.constant 512 : i32
      %mul3A_91 = arith.muli %while3A_80, %mul3A_90 : i32
      %get3A_92 = arith.constant 0 : index
      %get3A_93 = arith.index_cast %mul3A_91 : i32 to index
      %get3A_94 = arith.constant 0 : index
      %get3A_95 = vector.load %arg4[%get3A_92, %get3A_93, %get3A_94] : memref<1x2048x128xbf16, #tpu.memory_space<vmem>>, vector<1x512x128xbf16>
      %get3A_96 = vector.shape_cast %get3A_95 : vector<1x512x128xbf16> to vector<512x128xbf16>
      %dot_general3A = arith.constant dense<0.000000e+00> : vector<8x256x512xf32>
      %dot_general3A_97 = tpu.matmul %get3A_2, %get3A_89, %dot_general3A {dimension_numbers = #tpu.dot_dimension_numbers<[2], [1], [0, 1], [0], [0, 0, 0, 1, 1, 0], [], []>, transpose_lhs_hint = false} : vector<8x256x128xbf16>, vector<512x128xbf16>, vector<8x256x512xf32> -> vector<8x256x512xf32>
      %mul3A_98 = arith.constant 8 : i32
      %mul3A_99 = arith.muli %while3A_80, %mul3A_98 : i32
      %add3A_100 = vector.broadcast %mul3A_99 : i32 to vector<32x512xi32>
      %add3A_101 = arith.addi %add3A_100, %select_n3A : vector<32x512xi32>
      %eq3A = arith.cmpi eq, %iota3A_11, %add3A_101 : vector<32x512xi32>
      %convert_element_type3A = arith.extui %eq3A : vector<32x512xi1> to vector<32x512xi32>
      %convert_element_type3A_102 = arith.sitofp %convert_element_type3A : vector<32x512xi32> to vector<32x512xf32>
      %dot_general3A_103 = arith.constant dense<0.000000e+00> : vector<256x512xf32>
      %dot_general3A_104 = tpu.matmul %get3A_7, %convert_element_type3A_102, %dot_general3A_103 {dimension_numbers = #tpu.dot_dimension_numbers<[0], [0], [1], [1], [0, 1, 1, 1], [], []>, transpose_lhs_hint = false} : vector<32x256xf32>, vector<32x512xf32>, vector<256x512xf32> -> vector<256x512xf32>
      %gt3A = arith.constant 5.000000e-01 : f32
      %gt3A_105 = vector.broadcast %gt3A : f32 to vector<256x512xf32>
      %gt3A_106 = arith.cmpf ogt, %dot_general3A_104, %gt3A_105 : vector<256x512xf32>
      %mul3A_107 = arith.constant 512 : i32
      %mul3A_108 = arith.muli %while3A_80, %mul3A_107 : i32
      %add3A_109 = vector.broadcast %mul3A_108 : i32 to vector<256x512xi32>
      %add3A_110 = arith.addi %add3A_109, %iota3A_10 : vector<256x512xi32>
      %le3A = arith.cmpi sle, %add3A_110, %add3A_9 : vector<256x512xi32>
      %and3A_111 = arith.andi %gt3A_106, %le3A : vector<256x512xi1>
      %jit3A_112 = arith.constant 0.000000e+00 : f32
      %jit3A_113 = arith.constant -1.000000e+30 : f32
      %broadcast_in_dim3A_114 = vector.broadcast %jit3A_112 : f32 to vector<256x512xf32>
      %broadcast_in_dim3A_115 = vector.broadcast %jit3A_113 : f32 to vector<256x512xf32>
      %select_n3A_116 = arith.select %and3A_111, %broadcast_in_dim3A_114, %broadcast_in_dim3A_115 : vector<256x512xi1>, vector<256x512xf32>
      %mul3A_117 = arith.constant 0.127517432 : f32
      %mul3A_118 = vector.broadcast %mul3A_117 : f32 to vector<8x256x512xf32>
      %mul3A_119 = arith.mulf %dot_general3A_97, %mul3A_118 : vector<8x256x512xf32>
      %broadcast_in_dim3A_120 = vector.shape_cast %select_n3A_116 : vector<256x512xf32> to vector<1x256x512xf32>
      %add3A_121 = vector.broadcast %broadcast_in_dim3A_120 : vector<1x256x512xf32> to vector<8x256x512xf32>
      %add3A_122 = arith.addf %mul3A_119, %add3A_121 : vector<8x256x512xf32>
      %exp23A = math.exp2 %add3A_122 : vector<8x256x512xf32>
      %convert_element_type3A_123 = arith.truncf %exp23A : vector<8x256x512xf32> to vector<8x256x512xbf16>
      %convert_element_type3A_124 = arith.extf %convert_element_type3A_123 : vector<8x256x512xbf16> to vector<8x256x512xf32>
      %reduce_sum3A = arith.constant dense<0.000000e+00> : vector<8x256xf32>
      %reduce_sum3A_125 = vector.multi_reduction <add>, %convert_element_type3A_124, %reduce_sum3A [2] : vector<8x256x512xf32> to vector<8x256xf32>
      %broadcast_in_dim3A_126 = vector.shape_cast %reduce_sum3A_125 : vector<8x256xf32> to vector<8x256x1xf32>
      %add3A_127 = arith.addf %while3A_81, %broadcast_in_dim3A_126 : vector<8x256x1xf32>
      %dot_general3A_128 = arith.constant dense<0.000000e+00> : vector<8x256x128xf32>
      %dot_general3A_129 = tpu.matmul %convert_element_type3A_123, %get3A_96, %dot_general3A_128 {dimension_numbers = #tpu.dot_dimension_numbers<[2], [0], [0, 1], [1], [0, 0, 0, 1, 1, 1], [], []>, transpose_lhs_hint = false} : vector<8x256x512xbf16>, vector<512x128xbf16>, vector<8x256x128xf32> -> vector<8x256x128xf32>
      %add3A_130 = arith.addf %while3A_82, %dot_general3A_129 : vector<8x256x128xf32>
      scf.yield %add3A_127, %add3A_130 : vector<8x256x1xf32>, vector<8x256x128xf32>
    }
    %while3A_73 = arith.constant 1 : i32
    %while3A_74:2 = scf.for %while3A_80 = %while3A_70 to %while3A_66 step %while3A_73 iter_args(%while3A_81 = %while3A_72#0, %while3A_82 = %while3A_72#1) -> (vector<8x256x1xf32>, vector<8x256x128xf32>)  : i32 {
      %mul3A_83 = arith.constant 512 : i32
      %mul3A_84 = arith.muli %while3A_80, %mul3A_83 : i32
      %get3A_85 = arith.constant 0 : index
      %get3A_86 = arith.index_cast %mul3A_84 : i32 to index
      %get3A_87 = arith.constant 0 : index
      %get3A_88 = vector.load %arg3[%get3A_85, %get3A_86, %get3A_87] : memref<1x2048x128xbf16, #tpu.memory_space<vmem>>, vector<1x512x128xbf16>
      %get3A_89 = vector.shape_cast %get3A_88 : vector<1x512x128xbf16> to vector<512x128xbf16>
      %mul3A_90 = arith.constant 512 : i32
      %mul3A_91 = arith.muli %while3A_80, %mul3A_90 : i32
      %get3A_92 = arith.constant 0 : index
      %get3A_93 = arith.index_cast %mul3A_91 : i32 to index
      %get3A_94 = arith.constant 0 : index
      %get3A_95 = vector.load %arg4[%get3A_92, %get3A_93, %get3A_94] : memref<1x2048x128xbf16, #tpu.memory_space<vmem>>, vector<1x512x128xbf16>
      %get3A_96 = vector.shape_cast %get3A_95 : vector<1x512x128xbf16> to vector<512x128xbf16>
      %dot_general3A = arith.constant dense<0.000000e+00> : vector<8x256x512xf32>
      %dot_general3A_97 = tpu.matmul %get3A_2, %get3A_89, %dot_general3A {dimension_numbers = #tpu.dot_dimension_numbers<[2], [1], [0, 1], [0], [0, 0, 0, 1, 1, 0], [], []>, transpose_lhs_hint = false} : vector<8x256x128xbf16>, vector<512x128xbf16>, vector<8x256x512xf32> -> vector<8x256x512xf32>
      %mul3A_98 = arith.constant 8 : i32
      %mul3A_99 = arith.muli %while3A_80, %mul3A_98 : i32
      %add3A_100 = vector.broadcast %mul3A_99 : i32 to vector<32x512xi32>
      %add3A_101 = arith.addi %add3A_100, %select_n3A : vector<32x512xi32>
      %eq3A = arith.cmpi eq, %iota3A_11, %add3A_101 : vector<32x512xi32>
      %convert_element_type3A = arith.extui %eq3A : vector<32x512xi1> to vector<32x512xi32>
      %convert_element_type3A_102 = arith.sitofp %convert_element_type3A : vector<32x512xi32> to vector<32x512xf32>
      %dot_general3A_103 = arith.constant dense<0.000000e+00> : vector<256x512xf32>
      %dot_general3A_104 = tpu.matmul %get3A_7, %convert_element_type3A_102, %dot_general3A_103 {dimension_numbers = #tpu.dot_dimension_numbers<[0], [0], [1], [1], [0, 1, 1, 1], [], []>, transpose_lhs_hint = false} : vector<32x256xf32>, vector<32x512xf32>, vector<256x512xf32> -> vector<256x512xf32>
      %gt3A = arith.constant 5.000000e-01 : f32
      %gt3A_105 = vector.broadcast %gt3A : f32 to vector<256x512xf32>
      %gt3A_106 = arith.cmpf ogt, %dot_general3A_104, %gt3A_105 : vector<256x512xf32>
      %mul3A_107 = arith.constant 512 : i32
      %mul3A_108 = arith.muli %while3A_80, %mul3A_107 : i32
      %add3A_109 = vector.broadcast %mul3A_108 : i32 to vector<256x512xi32>
      %add3A_110 = arith.addi %add3A_109, %iota3A_10 : vector<256x512xi32>
      %le3A = arith.cmpi sle, %add3A_110, %add3A_9 : vector<256x512xi32>
      %and3A_111 = arith.andi %gt3A_106, %le3A : vector<256x512xi1>
      %jit3A_112 = arith.constant 0.000000e+00 : f32
      %jit3A_113 = arith.constant -1.000000e+30 : f32
      %broadcast_in_dim3A_114 = vector.broadcast %jit3A_112 : f32 to vector<256x512xf32>
      %broadcast_in_dim3A_115 = vector.broadcast %jit3A_113 : f32 to vector<256x512xf32>
      %select_n3A_116 = arith.select %and3A_111, %broadcast_in_dim3A_114, %broadcast_in_dim3A_115 : vector<256x512xi1>, vector<256x512xf32>
      %mul3A_117 = arith.constant 0.127517432 : f32
      %mul3A_118 = vector.broadcast %mul3A_117 : f32 to vector<8x256x512xf32>
      %mul3A_119 = arith.mulf %dot_general3A_97, %mul3A_118 : vector<8x256x512xf32>
      %broadcast_in_dim3A_120 = vector.shape_cast %select_n3A_116 : vector<256x512xf32> to vector<1x256x512xf32>
      %add3A_121 = vector.broadcast %broadcast_in_dim3A_120 : vector<1x256x512xf32> to vector<8x256x512xf32>
      %add3A_122 = arith.addf %mul3A_119, %add3A_121 : vector<8x256x512xf32>
      %exp23A = math.exp2 %add3A_122 : vector<8x256x512xf32>
      %convert_element_type3A_123 = arith.truncf %exp23A : vector<8x256x512xf32> to vector<8x256x512xbf16>
      %convert_element_type3A_124 = arith.extf %convert_element_type3A_123 : vector<8x256x512xbf16> to vector<8x256x512xf32>
      %reduce_sum3A = arith.constant dense<0.000000e+00> : vector<8x256xf32>
      %reduce_sum3A_125 = vector.multi_reduction <add>, %convert_element_type3A_124, %reduce_sum3A [2] : vector<8x256x512xf32> to vector<8x256xf32>
      %broadcast_in_dim3A_126 = vector.shape_cast %reduce_sum3A_125 : vector<8x256xf32> to vector<8x256x1xf32>
      %add3A_127 = arith.addf %while3A_81, %broadcast_in_dim3A_126 : vector<8x256x1xf32>
      %dot_general3A_128 = arith.constant dense<0.000000e+00> : vector<8x256x128xf32>
      %dot_general3A_129 = tpu.matmul %convert_element_type3A_123, %get3A_96, %dot_general3A_128 {dimension_numbers = #tpu.dot_dimension_numbers<[2], [0], [0, 1], [1], [0, 0, 0, 1, 1, 1], [], []>, transpose_lhs_hint = false} : vector<8x256x512xbf16>, vector<512x128xbf16>, vector<8x256x128xf32> -> vector<8x256x128xf32>
      %add3A_130 = arith.addf %while3A_82, %dot_general3A_129 : vector<8x256x128xf32>
      scf.yield %add3A_127, %add3A_130 : vector<8x256x1xf32>, vector<8x256x128xf32>
    }
    %div3A_75 = vector.broadcast %while3A_74#0 : vector<8x256x1xf32> to vector<8x256x128xf32>
    %div3A_76 = arith.divf %while3A_74#1, %div3A_75 : vector<8x256x128xf32>
    %swap3A = arith.constant 0 : index
    %swap3A_77 = arith.constant 0 : index
    %swap3A_78 = arith.constant 0 : index
    %swap3A_79 = vector.load %arg6[%swap3A, %swap3A_77, %swap3A_78] : memref<8x256x128xf32, #tpu.memory_space<vmem>>, vector<8x256x128xf32>
    tpu.vector_store %arg6[%swap3A, %swap3A_77, %swap3A_78], %div3A_76 {strides = array<i32>} : memref<8x256x128xf32, #tpu.memory_space<vmem>>, vector<8x256x128xf32>,
    return
  }
  func.func @transform_0(%arg0: i32, %arg1: i32) -> (i32, i32, i32) {
    %c0_i32 = arith.constant 0 : i32
    %c0_i32_0 = arith.constant 0 : i32
    return %arg0, %arg1, %c0_i32 : i32, i32, i32
  }
  func.func @transform_1(%arg0: i32, %arg1: i32) -> (i32, i32, i32) {
    %c0_i32 = arith.constant 0 : i32
    %c0_i32_0 = arith.constant 0 : i32
    %c0_i32_1 = arith.constant 0 : i32
    return %arg0, %c0_i32, %c0_i32_0 : i32, i32, i32
  }
  func.func @transform_2(%arg0: i32, %arg1: i32) -> (i32, i32, i32) {
    %c0_i32 = arith.constant 0 : i32
    %c0_i32_0 = arith.constant 0 : i32
    %c0_i32_1 = arith.constant 0 : i32
    return %arg0, %c0_i32, %c0_i32_0 : i32, i32, i32
  }
  func.func @transform_3(%arg0: i32, %arg1: i32) -> (i32, i32, i32) {
    %c0_i32 = arith.constant 0 : i32
    %c0_i32_0 = arith.constant 0 : i32
    return %arg0, %c0_i32, %arg1 : i32, i32, i32
  }
  func.func @transform_4(%arg0: i32, %arg1: i32) -> (i32, i32, i32) {
    %c0_i32 = arith.constant 0 : i32
    %c0_i32_0 = arith.constant 0 : i32
    return %arg0, %arg1, %c0_i32 : i32, i32, i32
  }
}

</mosaic_0001>

<sc_bundles>
// kernel: _run.6.cloned.1.call-start
scs
__scs_entry_jumppad:
0x0: {  	(pc) =	sbr.rel $0x88, $3  }
0x1: {  	(tag) =	ssettag $0x0;
	lr =	simm.s32 $0x1  }
0x2: {  	[smem:$0x3F9E] =	sst lr;
	_ =	strace $0xD0000000  }
0x3: {  	_ = 	snop  }
0x4: {  	_ = 	snop  }
0x5: {  	_ = 	snop  }
0x6: {  	_ = 	snop  }
0x7: {  	_ = 	snop  }
__scs_overlays_trampoline_lowered:
0x8: {  	[smem:$0x3FAD] =	sst s0  }
0x9: {  	[smem:$0x3FAE] =	sst s1  }
0xa: {  	[smem:$0x3FAF] =	sst s2  }
0xb: {  	[smem:$0x3FB0] =	sst s3  }
0xc: {  	[smem:$0x3FB1] =	sst s4  }
0xd: {  	[smem:$0x3FB2] =	sst s5  }
0xe: {  	[smem:$0x3FB3] =	sst s6  }
0xf: {  	[smem:$0x3FB4] =	sst s7  }
0x10: {  	[smem:$0x3FB5] =	sst s8  }
0x11: {  	[smem:$0x3FB6] =	sst s9;
	s0 =	simm.s32 @!p0 $0x0  }
0x12: {  	s1 =	sld [smem:$0x3F9C];
	s0 =	simm.s32 @p0 $0x1  }
0x13: {  	[smem:$0x3FB7] =	sst s0;
	s0 =	simm.s32 @!p1 $0x0  }
0x14: {  	s2 =	sld [smem:$0x3F9B];
	s0 =	simm.s32 @p1 $0x1  }
0x15: {  	[smem:$0x3FB8] =	sst s0;
	s0 =	simm.s32 @!p2 $0x0  }
0x16: {  	s3 =	sld [smem:$0x3FDB];
	s0 =	simm.s32 @p2 $0x1  }
0x17: {  	s4 =	simm.s32 $0x1BF5;
	[smem:$0x3FBA] =	sst s0  }
0x18: {  	s0 =	sld [smem:$0x3F9D];
	_ =	swait.ge [sflag:s4], $0x0  }
0x19: {  	s7 =	sld [smem:$0x3F9E]  }
0x1a: {  	s8 =	sadd.s32 $0xFFFFE003, lr  }
0x1b: {  	s9 =	sadd.s32 $0xFFFFFEF7, lr;
	s5 =	simm.s32 $0xFFFFFFFF;
	p2 =	slt.u32 s8, $0xFFFFF086  }
0x1c: {  	p1 =	slt.u32 s9, $0xF7A;
	s5 =	simm.s32 @!p2 $0x0  }
0x1d: {  	s5 =	simm.s32 @p1 $0x1;
	p0 =	seq.s32 s7, s2  }
0x1e: {  	s7 =	smul.u32 @!p0 $0xF7A, s2;
	p2 =	seq.s32 @!p0 s5, $0x0  }
0x1f: {  	s9 =	smul.u32 $0xF7A, s1;
	s8 =	simm.s32 @!p0 $0x1BF5;
	p2 =	por !p2, p0  }
0x20: {  	[sflag:s8] =	ssyncset.s32 @!p0 $0xFFFFF086;
	s6 =	sadd.s32 @!p0 s3, s7;
	s7 =	simm.s32 @!p0 $0x108  }
0x21: {  	s3 =	sadd.s32 s3, s9;
	s6 =	sadd.s32 @!p0 $0x88, s6;
	s7 =	simm.s32 @p2 $0x1082  }
0x22: {  	[simem:s7], [sflag:s8] =	dma.local @!p0 [hbm:s6], $0xF7A  }
0x23: {  	s9 =	sor.u32 $0xD0000000, s2;
	s6 =	simm.s32 $0x108;
	_ =	swait.ge @!p0 [sflag:s8], $0x0  }
0x24: {  	s3 =	sadd.s32 $0x88, s3;
	s6 =	simm.s32 @!p1 $0x1082;
	[sflag:s4] =	ssyncset.s32 $0xFFFFF086  }
0x25: {  	[simem:s6], [sflag:s4] =	dma.local [hbm:s3], $0xF7A  }
0x26: {  	[smem:$0x3F9E] =	sst s1;
	(tag) =	ssettag s2;
	_ =	strace s9  }
0x27: {  	s1 =	sld [smem:$0x3FAE]  }
0x28: {  	s2 =	sld [smem:$0x3FAF]  }
0x29: {  	s4 =	sld [smem:$0x3FB1]  }
0x2a: {  	p0 =	seq.s32 s5, $0x0;
	s5 =	sld [smem:$0x3FB2]  }
0x2b: {  	s6 =	sld [smem:$0x3FB3]  }
0x2c: {  	s7 =	sld [smem:$0x3FB4]  }
0x2d: {  	s3 =	simm.s32 $0x108;
	s8 =	sld [smem:$0x3FB5]  }
0x2e: {  	s3 =	simm.s32 @!p0 $0x1082;
	s9 =	sld [smem:$0x3FB6]  }
0x2f: {  	lr =	sadd.s32 s0, s3;
	s0 =	sld [smem:$0x3FAD]  }
0x30: {  	s3 =	sld [smem:$0x3FB0]  }
0x31: {  	[smem:$0x3FB9] =	sst s10  }
0x32: {  	s10 =	sld [smem:$0x3FB7];
	_ =	sdelay $0x3  }
0x33: {  	p0 =	seq.s32 s10, $0x1;
	s10 =	sld [smem:$0x3FB9];
	_ =	sdelay $0x3  }
0x34: {  	[smem:$0x3FB9] =	sst s10  }
0x35: {  	s10 =	sld [smem:$0x3FB8];
	_ =	sdelay $0x3  }
0x36: {  	p1 =	seq.s32 s10, $0x1;
	s10 =	sld [smem:$0x3FB9];
	_ =	sdelay $0x3  }
0x37: {  	[smem:$0x3FB9] =	sst s10  }
0x38: {  	s10 =	sld [smem:$0x3FBA]  }
0x39: {  	_ = 	snop;
	(pc) =	sbr.ind lr, $3  }
0x3a: {  	_ = 	snop  }
0x3b: {  	_ = 	snop  }
0x3c: {  	p2 =	seq.s32 s10, $0x1;
	s10 =	sld [smem:$0x3FB9]  }
0x3d: {  	_ =	shalt  }
0x3e: {  	_ =	shalt  }
0x3f: {  	_ =	shalt  }
0x40: {  	_ =	shalt  }
0x41: {  	_ =	shalt  }
0x42: {  	_ =	shalt  }
0x43: {  	_ =	shalt  }
0x44: {  	_ =	shalt  }
0x45: {  	_ =	shalt  }
0x46: {  	_ =	shalt  }
0x47: {  	_ =	shalt  }
0x48: {  	_ =	shalt  }
0x49: {  	_ =	shalt  }
0x4a: {  	_ =	shalt  }
0x4b: {  	_ =	shalt  }
0x4c: {  	_ =	shalt  }
0x4d: {  	_ =	shalt  }
0x4e: {  	_ =	shalt  }
0x4f: {  	_ =	shalt  }
0x50: {  	_ =	shalt  }
0x51: {  	_ =	shalt  }
0x52: {  	_ =	shalt  }
0x53: {  	_ =	shalt  }
0x54: {  	_ =	shalt  }
0x55: {  	_ =	shalt  }
0x56: {  	_ =	shalt  }
0x57: {  	_ =	shalt  }
0x58: {  	_ =	shalt  }
0x59: {  	_ =	shalt  }
0x5a: {  	_ =	shalt  }
0x5b: {  	_ =	shalt  }
0x5c: {  	_ =	shalt  }
0x5d: {  	_ =	shalt  }
0x5e: {  	_ =	shalt  }
0x5f: {  	_ =	shalt  }
0x60: {  	_ =	shalt  }
0x61: {  	_ =	shalt  }
0x62: {  	_ =	shalt  }
0x63: {  	_ =	shalt  }
0x64: {  	_ =	shalt  }
0x65: {  	_ =	shalt  }
0x66: {  	_ =	shalt  }
0x67: {  	_ =	shalt  }
0x68: {  	_ =	shalt  }
0x69: {  	_ =	shalt  }
0x6a: {  	_ =	shalt  }
0x6b: {  	_ =	shalt  }
0x6c: {  	_ =	shalt  }
0x6d: {  	_ =	shalt  }
0x6e: {  	_ =	shalt  }
0x6f: {  	_ =	shalt  }
0x70: {  	_ =	shalt  }
0x71: {  	_ =	shalt  }
0x72: {  	_ =	shalt  }
0x73: {  	_ =	shalt  }
0x74: {  	_ =	shalt  }
0x75: {  	_ =	shalt  }
0x76: {  	_ =	shalt  }
0x77: {  	_ =	shalt  }
0x78: {  	_ =	shalt  }
0x79: {  	_ =	shalt  }
0x7a: {  	_ =	shalt  }
0x7b: {  	_ =	shalt  }
0x7c: {  	_ =	shalt  }
0x7d: {  	_ =	shalt  }
0x7e: {  	_ =	shalt  }
0x7f: {  	_ =	shalt  }
0x80: {  	_ =	shalt  }
0x81: {  	_ =	shalt  }
0x82: {  	_ =	shalt  }
0x83: {  	_ =	shalt  }
0x84: {  	_ =	shalt  }
0x85: {  	_ =	shalt  }
0x86: {  	_ =	shalt  }
0x87: {  	_ =	shalt  }
.Lfunc_end0:
.L_simem_size_0:
called_computation_lowered:
.L_overlay_start_0:
0x88: {  	s2 =	sld [smem:$0x3FD9]  }
0x89: {  	s3 =	sld [smem:$0x3FFE];
	_ =	sdelay $0x1  }
0x8a: {  	s1 =	srdreg.scid  }
0x8b: {  	s0 =	sand.u32 $0x1, s1  }
0x8c: {  	s17 =	sshll.u32 s0, $0xA;
	s2 =	sadd.s32 s3, s2  }
0x8d: {  	s2 =	sadd.s32 s2, s17  }
0x8e: {  	[smem:$0x3FC5] =	sst s2  }
0x8f: {  	_ = 	snop  }
0x90: {  	s2 =	sld [smem:$0x3FD0];
	(tm) =	ssettm $0x1  }
0x91: {  	s18 =	sld [smem:$0x3FFB];
	_ =	sdelay $0x3  }
0x92: {  	_ =	strace s18  }
0x93: {  	s3 =	sld [smem:$0x3FFC];
	_ =	sdelay $0x3  }
0x94: {  	_ =	strace s3  }
0x95: {  	s3 =	sld [smem:$0x3FFD];
	_ =	sdelay $0x3  }
0x96: {  	_ =	strace s3  }
0x97: {  	_ =	strace $0x8FFFFFFF  }
0x98: {  	s19 =	sld [smem:$0x3FDB];
	_ =	sdelay $0x1  }
0x99: {  	s4 =	simm.s32 $_scs_section_size  }
0x9a: {  	s5 =	simm.s32 $_size__tile_overlayer_lowered;
	s6 =	simm.s32 $_tile_overlayer_lowered  }
0x9b: {  	s22 =	simm.s32 $0x1BFF;
	s21 =	sshll.u32 s6, $0x1;
	s3 =	sadd.s32 s4, s19  }
0x9c: {  	s7 =	simm.s32 $0x0;
	s20 =	sshll.u32 s5, $0x1;
	s5 =	sadd.s32 s21, s3  }
0x9d: {  	[timem:s7], [sflag:s22] =	dma.local [hbm:s5], s20  }
0x9e: {  	_ =	swait.ge [sflag:s22], s20  }
0x9f: {  	s4 =	ssub.s32 $0x0, s20;
	[sflag:s22] =	ssyncset.done $0x0  }
0xa0: {  	[sflag:s22] =	ssyncadd.s32 s4;
	_ =	sdelay $0x1  }
0xa1: {  	s23 =	simm.s32 $0x1B8B  }
0xa2: {  	_ =	swait.ge [sflag:s23], $0x1  }
0xa3: {  	[sflag:s23] =	ssyncset.done $0x0  }
0xa4: {  	s25 =	simm.s32 $0x1B8E;
	s24 =	sld [smem:$0x3FFE];
	[sflag:s23] =	ssyncadd.s32 $0xFFFFFFFF  }
0xa5: {  	s26 =	simm.s32 $execute0_lowered;
	[smem:$0x3FD2] =	sst s25  }
0xa6: {  	s5 =	sshll.u32 s26, $0x1;
	_ =	strace $0x80000046;
	[dreg:$0x1] =	wrdreg $0xFFFFFFFF  }
0xa7: {  	s28 =	simm.s32 $_size_execute0_lowered;
	s3 =	sadd.s32 s3, s5;
	[dreg:$0x0] =	wrdreg $0x0  }
0xa8: {  	s5 =	sshll.u32 s28, $0x1;
	[dreg:$0x2] =	wrdreg s3  }
0xa9: {  	[dreg:$0x3] =	wrdreg s5  }
0xaa: {  	[dreg:$0x4] =	wrdreg $0xC0  }
0xab: {  	_ =	task [dreg:s7], $0x5FFFF  }
0xac: {  	[dreg:$0x1] =	wrdreg $0xFFFFFFFF  }
0xad: {  	[dreg:$0x0] =	wrdreg $0x60  }
0xae: {  	[dreg:$0x2] =	wrdreg s2  }
0xaf: {  	[dreg:$0x3] =	wrdreg s24  }
0xb0: {  	[dreg:$0x4] =	wrdreg $0x9  }
0xb1: {  	_ =	task.clear_ibuf [dreg:s7], $0x5FFFF;
	_ =	strace $0x90000046  }
0xb2: {  	s29 =	simm.s32 $0x9;
	_ =	strace $0x80000048  }
0xb3: {  	_ =	swait.ge [sflag:s29], $0x1  }
0xb4: {  	[sflag:s29] =	ssyncadd.s32 $0xFFFFFFFF  }
0xb5: {  	_ =	strace $0x90000048  }
0xb6: {  	_ =	sfence  }
0xb7: {  	s30 =	sld [smem:$0x0];
	_ =	sdelay $0x2  }
0xb8: {  	s31 =	sshll.u32 s1, $0xD;
	s1 =	sshrl.u32 s1, $0x2  }
0xb9: {  	s3 =	sand.u32 $0x4000, s31;
	s1 =	sadd.s32 s1, s30  }
0xba: {  	s0 =	sor.u32 s3, s0;
	s1 =	sshll.u32 s1, $0x11  }
0xbb: {  	s0 =	sor.u32 s1, s0  }
0xbc: {  	s0 =	sadd.s32 $0x8F2B, s0  }
0xbd: {  	[sflag:s0] =	ssyncadd.remote.s32 $0x1  }
0xbe: {  	_ =	sfence.sel $0xFFFF  }
0xbf: {  	[dreg:$0x0] =	wrdreg $0xFFFFFFFF;
	(pc) =	sbr.abs _section_cstart, $3  }
0xc0: {  	[dreg:$0x1] =	wrdreg $0xFFFFFFFF  }
0xc1: {  	_ =	task.clear_ibuf [dreg:s7], $0x2FFFF;
	_ =	strace $0x9FFFFFFF  }
0xc2: {  	(tm) =	ssettm $0x7FFFFFFF  }
0xc3: {  	_ =	shalt  }
tec
execute0_lowered:
.L_overlay_start_1:
0x0: {  	(tag) =	ssettag $0x1  }
0x1: {  	s4 =	rddreg [dreg:$0x0]  }
0x2: {  	s5 =	rddreg [dreg:$0x1]  }
0x3: {  	s2 =	srdreg.scid;
	s0 =	stileid.u32  }
0x4: {  	s1 =	simm.s32 $0x0;
	s9 =	simm.s32 $0x1;
	s11 =	simm.s32 $0x0  }
0x5: {  	s6 =	sand.u32 $0x1, s2;
	s3 =	sshll.u32 s0, $0x7;
	[smem:$0x7FF] =	sst s1  }
0x6: {  	s1 =	simm.s32 $0x400;
	s7 =	sshll.u32 s6, $0xD;
	s6 =	ssub.s32 $0x2, s6  }
0x7: {  	s2 =	simm.s32 $0x4000;
	s7 =	sor.u32 s3, s7;
	s8 =	sshrl.u32 s6, $0x1  }
0x8: {  	v0 =	vimm.s32 $0x0;
	_ =	strace $0x80000047;
	s5 =	sadd.s32 s7, s5;
	s6 =	ssub.s32 s6, s8  }
0x9: {  	vm0 =	vcmask $0x300;
	v57 =	vimm.f32 $0.0e+00;
	v5 =	vmov s0;
	s4 =	sadd.s32 s4, s7;
	s5 =	sadd.s32 $0x1000, s5;
	s6 =	smax.u32 s6, $0x1  }
.LBB2_1:
0xa: {  	s0 =	simm.s32 $0x0  }
0xb: {  	[tilespmem:s0], [sflag:$0x1] =	stream.strided.gather [hbm4b:s4+s1], $0x1000, s2, s1, $0x38;
	[tilespmem:$0x2000] =	vst v63  }
0xc: {  	_ =	swait.ge [sflag:s9], $0x1000  }
0xd: {  	s12 =	simm.s32 $0x0;
	[sflag:s9] =	ssyncset.done $0x0  }
0xe: {  	s13 =	simm.s32 $0x1000;
	s14 =	simm.s32 $0x0;
	[sflag:s9] =	ssyncadd.s32 $0xFFFFF000  }
.LBB2_2:
0xf: {  	s15 =	sshll.u32 s14, $0x4;
	s16 =	simm.s32 $0x0  }
0x10: {  	p1 =	por $0x0, $0x0;
	p0 =	por $0x0, $0x0;
	p2 =	por $0x0, $0x0  }
0x11: {  	s19 =	simm.s32 $0x1;
	p3 =	por $0x0, $0x0;
	p4 =	por $0x0, $0x0  }
0x12: {  	s20 =	simm.s32 $0x1;
	s21 =	simm.s32 $0x1;
	s22 =	simm.s32 $0x1  }
0x13: {  	s23 =	simm.s32 $0x1;
	s24 =	simm.s32 $0x1;
	s25 =	simm.s32 $0x1  }
0x14: {  	s26 =	simm.s32 $0x1;
	s28 =	simm.s32 $0x1;
	s18 =	simm.s32 $0x1  }
0x15: {  	s29 =	simm.s32 $0x1;
	s30 =	simm.s32 $0x1;
	s31 =	simm.s32 $0x1  }
0x16: {  	p5 =	por $0x0, $0x0;
	s0 =	simm.s32 $0x1;
	s1 =	simm.s32 $0x1  }
0x17: {  	p6 =	por $0x0, $0x0;
	s10 =	simm.s32 $0x1;
	s2 =	simm.s32 $0x1  }
0x18: {  	s7 =	simm.s32 $0x1;
	s8 =	simm.s32 $0x1;
	s17 =	sadd.s32 s3, s15  }
0x19: {  	s19 =	simm.s32 @!p0 $0x0;
	p0 =	por $0x0, $0x0;
	s20 =	simm.s32 @!p4 $0x0  }
0x1a: {  	p4 =	por $0x0, $0x0;
	s21 =	simm.s32 @!p1 $0x0;
	p1 =	por $0x0, $0x0  }
0x1b: {  	s22 =	simm.s32 @!p2 $0x0;
	p2 =	por $0x0, $0x0;
	s23 =	simm.s32 @!p3 $0x0  }
0x1c: {  	p3 =	por $0x0, $0x0;
	s7 =	simm.s32 @!p5 $0x0;
	s8 =	simm.s32 @!p6 $0x0  }
0x1d: {  	v4 =	vsel vm0, s16, v5;
	s16 =	simm.s32 $0x1;
	s24 =	simm.s32 @!p4 $0x0;
	p4 =	por $0x0, $0x0  }
0x1e: {  	s25 =	simm.s32 @!p1 $0x0;
	p1 =	por $0x0, $0x0;
	s28 =	simm.s32 @!p0 $0x0  }
0x1f: {  	p0 =	por $0x0, $0x0;
	s18 =	simm.s32 @!p2 $0x0;
	p2 =	por $0x0, $0x0  }
0x20: {  	s29 =	simm.s32 @!p3 $0x0;
	p3 =	por $0x0, $0x0;
	v3 =	vmov s17;
	s17 =	simm.s32 $0x1  }
0x21: {  	v38 =	vmov s19;
	v36 =	vmov s21;
	v35 =	vmov s20;
	s19 =	simm.s32 $0x1;
	s20 =	simm.s32 $0x1;
	s21 =	simm.s32 $0x1  }
0x22: {  	v34 =	vmov s22;
	s22 =	simm.s32 $0x1;
	v20 =	vmov s7;
	v21 =	vmov s8;
	s7 =	simm.s32 $0x1;
	s8 =	simm.s32 $0x1  }
0x23: {  	s26 =	simm.s32 @!p4 $0x0;
	p4 =	por $0x0, $0x0;
	s31 =	simm.s32 @!p0 $0x0  }
0x24: {  	s1 =	simm.s32 @!p1 $0x0;
	p0 =	por $0x0, $0x0;
	s10 =	simm.s32 @!p2 $0x0  }
0x25: {  	v37 =	vmov s23;
	s2 =	simm.s32 @!p3 $0x0;
	p2 =	por $0x0, $0x0;
	p3 =	por $0x0, $0x0  }
0x26: {  	p1 =	por $0x0, $0x0;
	v32 =	vmov s24;
	v33 =	vmov s25;
	v29 =	vmov s29;
	s30 =	simm.s32 @!p4 $0x0;
	p4 =	por $0x0, $0x0  }
0x27: {  	v40 =	vld [tilespmem:s12+$0x0];
	v1 =	vshrl.u32 v3, $0x6;
	v31 =	vmov s28;
	v28 =	vmov s18;
	s17 =	simm.s32 @!p0 $0x0;
	p0 =	por $0x0, $0x0;
	s19 =	simm.s32 @!p3 $0x0  }
0x28: {  	v2 =	vld [tilespmem:s15+$0x0];
	v30 =	vmov s26;
	p3 =	por $0x0, $0x0;
	s20 =	simm.s32 @!p2 $0x0;
	vm1 =	vle.s32 v4, v1;
	p2 =	por $0x0, $0x0;
	v27 =	vmov s31  }
0x29: {  	s22 =	simm.s32 @!p1 $0x0;
	p1 =	por $0x0, $0x0;
	v23 =	vmov s2;
	v25 =	vmov s1;
	s1 =	simm.s32 $0x1;
	v22 =	vmov s10  }
0x2a: {  	s2 =	simm.s32 $0x1;
	s10 =	simm.s32 $0x1;
	s0 =	simm.s32 @!p4 $0x0;
	v26 =	vmov s30;
	v6 =	vsel vm1, $0x1, v0;
	v15 =	vmov s20  }
0x2b: {  	v3 =	vld [tilespmem:s15+$0x80];
	p4 =	por $0x0, $0x0;
	s1 =	simm.s32 @!p0 $0x0;
	v19 =	vmov s17;
	s7 =	simm.s32 @!p2 $0x0;
	v12 =	vmov s22;
	v13 =	vmov s19  }
0x2c: {  	p0 =	por $0x0, $0x0;
	s10 =	simm.s32 @!p1 $0x0;
	s16 =	simm.s32 @!p4 $0x0;
	v24 =	vmov s0;
	v8 =	vmov s7;
	v10 =	vmov s1  }
0x2d: {  	v17 =	vld [tilespmem:s15+$0x100];
	p4 =	por $0x0, $0x0;
	s0 =	simm.s32 $0x1;
	s8 =	simm.s32 @!p0 $0x0;
	v39 =	vmov s10;
	vm1 =	vgt.f32 v2, v40;
	vm2 =	veq.f32 v2, v40  }
0x2e: {  	v41 =	vbroadcast v6, $0x0;
	s21 =	simm.s32 @!p4 $0x0;
	p4 =	por $0x0, $0x0;
	s0 =	simm.s32 @!p3 $0x0;
	v16 =	vmov s16;
	v7 =	vmov s8  }
0x2f: {  	v18 =	vld [tilespmem:s15+$0x180];
	v6 =	vsel vm1, $0x1, v0;
	s2 =	simm.s32 @!p4 $0x0;
	v11 =	vmov s21;
	v9 =	vmov s0  }
0x30: {  	v7 =	vnsel vm2, $0x0, v7;
	vm1 =	vgt.f32 v3, v40;
	v42 =	vmov s2  }
0x31: {  	v14 =	vld [tilespmem:s15+$0x200];
	v6 =	vadd.s32 v6, v7;
	v7 =	vsel vm1, $0x1, v0;
	vm1 =	veq.f32 v3, v40  }
0x32: {  	v7 =	vadd.s32 v7, v6;
	v39 =	vnsel vm1, $0x0, v39;
	vm1 =	vgt.f32 v17, v40  }
0x33: {  	[tilespmem:$0x1FFA0] =	vst v2;
	v2 =	vld [tilespmem:s15+$0x280];
	v7 =	vadd.s32 v39, v7;
	v61 =	vsel vm1, $0x1, v0;
	vm1 =	veq.f32 v17, v40  }
0x34: {  	v39 =	vadd.s32 v61, v7;
	v42 =	vnsel vm1, $0x0, v42;
	vm1 =	vgt.f32 v18, v40  }
0x35: {  	[tilespmem:$0x1FFB0] =	vst v3;
	v3 =	vld [tilespmem:s15+$0x300];
	v39 =	vadd.s32 v42, v39;
	v62 =	vsel vm1, $0x1, v0;
	vm1 =	veq.f32 v18, v40  }
0x36: {  	v39 =	vadd.s32 v62, v39;
	v63 =	vnsel vm1, $0x0, v8;
	vm1 =	vgt.f32 v14, v40  }
0x37: {  	v8 =	vld [tilespmem:s15+$0x380];
	v39 =	vadd.s32 v63, v39;
	v45 =	vsel vm1, $0x1, v0;
	vm1 =	veq.f32 v14, v40  }
0x38: {  	v39 =	vadd.s32 v45, v39;
	v46 =	vnsel vm1, $0x0, v9;
	vm1 =	vgt.f32 v2, v40  }
0x39: {  	v9 =	vld [tilespmem:s15+$0x400];
	v39 =	vadd.s32 v46, v39;
	v47 =	vsel vm1, $0x1, v0;
	vm1 =	veq.f32 v2, v40  }
0x3a: {  	v39 =	vadd.s32 v47, v39;
	v48 =	vnsel vm1, $0x0, v10;
	vm1 =	vgt.f32 v3, v40  }
0x3b: {  	v10 =	vld [tilespmem:s15+$0x480];
	v39 =	vadd.s32 v48, v39;
	v49 =	vsel vm1, $0x1, v0;
	vm1 =	veq.f32 v3, v40  }
0x3c: {  	v39 =	vadd.s32 v49, v39;
	v50 =	vnsel vm1, $0x0, v11;
	vm1 =	vgt.f32 v8, v40  }
0x3d: {  	v11 =	vld [tilespmem:s15+$0x500];
	v39 =	vadd.s32 v50, v39;
	v51 =	vsel vm1, $0x1, v0;
	vm1 =	veq.f32 v8, v40  }
0x3e: {  	v39 =	vadd.s32 v51, v39;
	v52 =	vnsel vm1, $0x0, v12;
	vm1 =	vgt.f32 v9, v40  }
0x3f: {  	v12 =	vld [tilespmem:s15+$0x580];
	v39 =	vadd.s32 v52, v39;
	v53 =	vsel vm1, $0x1, v0;
	vm1 =	veq.f32 v9, v40  }
0x40: {  	v39 =	vadd.s32 v53, v39;
	v54 =	vnsel vm1, $0x0, v13;
	vm1 =	vgt.f32 v10, v40  }
0x41: {  	v13 =	vld [tilespmem:s15+$0x600];
	v39 =	vadd.s32 v54, v39;
	v55 =	vsel vm1, $0x1, v0;
	vm1 =	veq.f32 v10, v40  }
0x42: {  	v39 =	vadd.s32 v55, v39;
	v56 =	vnsel vm1, $0x0, v15;
	vm1 =	vgt.f32 v11, v40  }
0x43: {  	v15 =	vld [tilespmem:s15+$0x680];
	v39 =	vadd.s32 v56, v39;
	v58 =	vsel vm1, $0x1, v0;
	vm1 =	veq.f32 v11, v40  }
0x44: {  	v39 =	vadd.s32 v58, v39;
	v59 =	vnsel vm1, $0x0, v16;
	vm1 =	vgt.f32 v12, v40  }
0x45: {  	v16 =	vld [tilespmem:s15+$0x700];
	v39 =	vadd.s32 v59, v39;
	v60 =	vsel vm1, $0x1, v0;
	vm1 =	veq.f32 v12, v40  }
0x46: {  	v39 =	vadd.s32 v60, v39;
	v61 =	vnsel vm1, $0x0, v19;
	vm1 =	vgt.f32 v13, v40  }
0x47: {  	v19 =	vld [tilespmem:s15+$0x780];
	v39 =	vadd.s32 v61, v39;
	v62 =	vsel vm1, $0x1, v0;
	vm1 =	veq.f32 v13, v40  }
0x48: {  	v39 =	vadd.s32 v62, v39;
	v63 =	vnsel vm1, $0x0, v20;
	vm1 =	vgt.f32 v15, v40  }
0x49: {  	v20 =	vld [tilespmem:s15+$0x800];
	v39 =	vadd.s32 v63, v39;
	v45 =	vsel vm1, $0x1, v0;
	vm1 =	veq.f32 v15, v40  }
0x4a: {  	v39 =	vadd.s32 v45, v39;
	v46 =	vnsel vm1, $0x0, v21;
	vm1 =	vgt.f32 v16, v40  }
0x4b: {  	v21 =	vld [tilespmem:s15+$0x880];
	v39 =	vadd.s32 v46, v39;
	v47 =	vsel vm1, $0x1, v0;
	vm1 =	veq.f32 v16, v40  }
0x4c: {  	v39 =	vadd.s32 v47, v39;
	v48 =	vnsel vm1, $0x0, v22;
	vm1 =	vgt.f32 v19, v40  }
0x4d: {  	v22 =	vld [tilespmem:s15+$0x900];
	v39 =	vadd.s32 v48, v39;
	v49 =	vsel vm1, $0x1, v0;
	vm1 =	veq.f32 v19, v40  }
0x4e: {  	v39 =	vadd.s32 v49, v39;
	v50 =	vnsel vm1, $0x0, v23;
	vm1 =	vgt.f32 v20, v40  }
0x4f: {  	v23 =	vld [tilespmem:s15+$0x980];
	v39 =	vadd.s32 v50, v39;
	v51 =	vsel vm1, $0x1, v0;
	vm1 =	veq.f32 v20, v40  }
0x50: {  	v39 =	vadd.s32 v51, v39;
	v52 =	vnsel vm1, $0x0, v24;
	vm1 =	vgt.f32 v21, v40  }
0x51: {  	v24 =	vld [tilespmem:s15+$0xA00];
	v39 =	vadd.s32 v52, v39;
	v53 =	vsel vm1, $0x1, v0;
	vm1 =	veq.f32 v21, v40  }
0x52: {  	v39 =	vadd.s32 v53, v39;
	v54 =	vnsel vm1, $0x0, v25;
	vm1 =	vgt.f32 v22, v40  }
0x53: {  	v25 =	vld [tilespmem:s15+$0xA80];
	v39 =	vadd.s32 v54, v39;
	v55 =	vsel vm1, $0x1, v0;
	vm1 =	veq.f32 v22, v40  }
0x54: {  	v39 =	vadd.s32 v55, v39;
	v56 =	vnsel vm1, $0x0, v26;
	vm1 =	vgt.f32 v23, v40  }
0x55: {  	v39 =	vadd.s32 v56, v39;
	v58 =	vsel vm1, $0x1, v0;
	vm1 =	veq.f32 v23, v40  }
0x56: {  	v26 =	vld [tilespmem:s15+$0xB00];
	v39 =	vadd.s32 v58, v39;
	v59 =	vnsel vm1, $0x0, v27;
	vm1 =	vgt.f32 v24, v40  }
0x57: {  	v39 =	vadd.s32 v59, v39;
	v60 =	vsel vm1, $0x1, v0;
	vm1 =	veq.f32 v24, v40  }
0x58: {  	v39 =	vadd.s32 v60, v39;
	v61 =	vnsel vm1, $0x0, v28;
	vm1 =	vgt.f32 v25, v40  }
0x59: {  	s18 =	simm.s32 $0x1;
	s17 =	simm.s32 $0x1;
	p2 =	por $0x0, $0x0;
	v27 =	vld [tilespmem:s15+$0xB80];
	v39 =	vadd.s32 v61, v39;
	v62 =	vsel vm1, $0x1, v0;
	vm1 =	veq.f32 v25, v40  }
0x5a: {  	p5 =	por $0x0, $0x0;
	s23 =	simm.s32 $0x1;
	s18 =	simm.s32 @!p2 $0x0;
	v61 =	vsel vm0, s17, v5;
	v39 =	vadd.s32 v62, v39;
	v63 =	vnsel vm1, $0x0, v29  }
0x5b: {  	s24 =	simm.s32 $0x1;
	s28 =	simm.s32 $0x1;
	s26 =	simm.s32 $0x1;
	v28 =	vld [tilespmem:s15+$0xC00];
	vm1 =	vgt.f32 v26, v40;
	v62 =	vand.u32 $0x1, v41;
	v41 =	vmov s18  }
0x5c: {  	s20 =	simm.s32 $0x1;
	s22 =	simm.s32 $0x1;
	p3 =	por $0x0, $0x0;
	v39 =	vadd.s32 v63, v39;
	v45 =	vsel vm1, $0x1, v0;
	vm1 =	veq.f32 v26, v40  }
0x5d: {  	s24 =	simm.s32 @!p3 $0x0;
	p3 =	por $0x0, $0x0;
	s0 =	simm.s32 $0x1;
	vm3 =	vle.s32 v61, v1;
	v39 =	vadd.s32 v45, v39;
	v46 =	vnsel vm1, $0x0, v30  }
0x5e: {  	s30 =	simm.s32 $0x1;
	p0 =	por $0x0, $0x0;
	s0 =	simm.s32 @!p3 $0x0;
	v29 =	vld [tilespmem:s15+$0xC80];
	vm2 =	veq.s32 v62, $0x1;
	vm1 =	vgt.f32 v27, v40;
	v39 =	vadd.s32 v46, v39  }
0x5f: {  	p2 =	por $0x0, $0x0;
	s20 =	simm.s32 @!p0 $0x0;
	p0 =	por $0x0, $0x0;
	v47 =	vsel vm1, $0x1, v0;
	vm1 =	veq.f32 v27, v40;
	v46 =	vmov s0  }
0x60: {  	s23 =	simm.s32 @!p2 $0x0;
	s22 =	simm.s32 @!p0 $0x0;
	p0 =	por $0x0, $0x0;
	v30 =	vld [tilespmem:s15+$0xD00];
	v39 =	vadd.s32 v47, v39;
	v48 =	vnsel vm1, $0x0, v31;
	vm1 =	vgt.f32 v28, v40  }
0x61: {  	s26 =	simm.s32 @!p5 $0x0;
	p5 =	por $0x0, $0x0;
	s30 =	simm.s32 @!p0 $0x0;
	v47 =	vmov s23;
	v39 =	vadd.s32 v48, v39;
	v49 =	vsel vm1, $0x1, v0  }
0x62: {  	s28 =	simm.s32 @!p5 $0x0;
	v31 =	vld [tilespmem:s15+$0xD80];
	vm1 =	veq.f32 v28, v40;
	v48 =	vmov s30;
	v39 =	vadd.s32 v49, v39  }
0x63: {  	v50 =	vnsel vm1, $0x0, v32;
	vm1 =	vgt.f32 v29, v40;
	v49 =	vmov s28  }
0x64: {  	p6 =	por $0x0, $0x0;
	s29 =	simm.s32 $0x1;
	v32 =	vld [tilespmem:s15+$0xE00];
	v39 =	vadd.s32 v50, v39;
	v51 =	vsel vm1, $0x1, v0;
	vm1 =	veq.f32 v29, v40  }
0x65: {  	s25 =	simm.s32 $0x1;
	p1 =	por $0x0, $0x0;
	s19 =	simm.s32 $0x1;
	v39 =	vadd.s32 v51, v39;
	v52 =	vnsel vm1, $0x0, v33;
	vm1 =	vgt.f32 v30, v40  }
0x66: {  	s29 =	simm.s32 @!p1 $0x0;
	p1 =	por $0x0, $0x0;
	p5 =	por $0x0, $0x0;
	v33 =	vld [tilespmem:s15+$0xE80];
	v39 =	vadd.s32 v52, v39;
	v53 =	vsel vm1, $0x1, v0;
	vm1 =	veq.f32 v30, v40  }
0x67: {  	s1 =	simm.s32 $0x1;
	s7 =	simm.s32 $0x1;
	s10 =	simm.s32 $0x1;
	v39 =	vadd.s32 v53, v39;
	v34 =	vnsel vm1, $0x0, v34;
	vm1 =	vgt.f32 v31, v40  }
0x68: {  	s16 =	sadd.s32 $0x80, s12;
	p2 =	por $0x0, $0x0;
	s1 =	simm.s32 @!p1 $0x0;
	v39 =	vadd.s32 v34, v39;
	v54 =	vsel vm1, $0x1, v0;
	vm1 =	veq.f32 v31, v40;
	v34 =	vld [tilespmem:s15+$0xF00]  }
0x69: {  	p1 =	por $0x0, $0x0;
	s8 =	simm.s32 $0x1;
	s10 =	simm.s32 @!p6 $0x0;
	v39 =	vadd.s32 v54, v39;
	v37 =	vnsel vm1, $0x0, v37;
	vm1 =	vgt.f32 v32, v40  }
0x6a: {  	p6 =	por $0x0, $0x0;
	p4 =	por $0x0, $0x0;
	s21 =	simm.s32 $0x1;
	[tilespmem:$0x1FFC0] =	vst v2;
	v2 =	vld [tilespmem:s15+$0xF80];
	v37 =	vadd.s32 v37, v39;
	v55 =	vsel vm1, $0x1, v0;
	vm1 =	veq.f32 v32, v40  }
0x6b: {  	s7 =	simm.s32 @!p2 $0x0;
	s8 =	simm.s32 @!p5 $0x0;
	p2 =	por $0x0, $0x0;
	v37 =	vadd.s32 v55, v37;
	v56 =	vnsel vm1, $0x0, v35;
	vm1 =	vgt.f32 v33, v40  }
0x6c: {  	p5 =	por $0x0, $0x0;
	s19 =	simm.s32 @!p4 $0x0;
	p4 =	por $0x0, $0x0;
	v37 =	vadd.s32 v56, v37;
	v58 =	vsel vm1, $0x1, v0;
	vm1 =	veq.f32 v33, v40  }
0x6d: {  	p3 =	por $0x0, $0x0;
	s25 =	simm.s32 @!p4 $0x0;
	p4 =	por $0x0, $0x0;
	v37 =	vadd.s32 v58, v37;
	v59 =	vnsel vm1, $0x0, v36;
	vm1 =	vgt.f32 v34, v40  }
0x6e: {  	s2 =	simm.s32 $0x1;
	s21 =	simm.s32 @!p4 $0x0;
	p4 =	por $0x0, $0x0;
	v60 =	vadd.s32 v59, v37;
	v43 =	vsel vm1, $0x1, v0;
	vm1 =	veq.f32 v34, v40  }
0x6f: {  	p0 =	por $0x0, $0x0;
	s2 =	simm.s32 @!p4 $0x0;
	p4 =	por $0x0, $0x0;
	v42 =	vadd.s32 v43, v60;
	v44 =	vnsel vm1, $0x0, v38;
	vm1 =	vgt.f32 v2, v40  }
0x70: {  	s18 =	simm.s32 $0x2;
	s23 =	simm.s32 $0x1;
	v50 =	vsel vm3, $0x1, v0;
	s15 =	simm.s32 $0x1;
	v44 =	vadd.s32 v44, v42;
	v45 =	vsel vm1, $0x1, v0  }
0x71: {  	s23 =	simm.s32 @!p5 $0x0;
	p5 =	por $0x0, $0x0;
	v51 =	vmov s1;
	v53 =	vmov s7;
	s15 =	simm.s32 @!p3 $0x0;
	v44 =	vadd.s32 v45, v44  }
0x72: {  	p3 =	por $0x0, $0x0;
	v52 =	vmov s15;
	s15 =	smov.u32 s13;
	v36 =	vmov s20;
	s20 =	simm.s32 $0x1;
	vm1 =	vlt.s32 v44, $0x10  }
0x73: {  	[tilespmem:$0x1FFF0] =	vst v1;
	v37 =	vmov s24;
	s20 =	simm.s32 @!p0 $0x0;
	s24 =	simm.s32 $0x1;
	v38 =	vmov s19;
	s19 =	simm.s32 $0x1;
	vm1 =	vmand vm1, vm2  }
0x74: {  	[tilespmem:$0x1FFD0] =	vst v3;
	v54 =	vmov s2;
	s24 =	simm.s32 @!p4 $0x0;
	s19 =	simm.s32 @!p1 $0x0;
	v45 =	vmov s21;
	s21 =	simm.s32 $0x1;
	v63 =	vsel vm1, $0x3F800000, v57  }
0x75: {  	v39 =	vmov s29;
	v55 =	vmov s10;
	p1 =	por $0x0, $0x0;
	s21 =	simm.s32 @!p2 $0x0;
	v44 =	vmov s22;
	s22 =	simm.s32 $0x1;
	[tilespmem:s13+$0x0] =	vst v63  }
0x76: {  	[tilespmem:$0x1FFE0] =	vst v2;
	v56 =	vmov s8;
	v43 =	vmov s25;
	v42 =	vmov s26;
	p2 =	por $0x0, $0x0;
	s22 =	simm.s32 @!p3 $0x0;
	p3 =	por $0x0, $0x0;
	v40 =	vld [tilespmem:s16+$0x0]  }
.LBB2_3:
0x77: {  	p0 =	sne.s32 s18, $0x1F;
	s2 =	simm.s32 $0x1;
	v6 =	vld [tilespmem:$0x1FFA0]  }
0x78: {  	s7 =	simm.s32 $0x1;
	s8 =	simm.s32 $0x1;
	s10 =	simm.s32 $0x1;
	v7 =	vld [tilespmem:$0x1FFB0]  }
0x79: {  	s0 =	simm.s32 @!p0 $0x0;
	s2 =	simm.s32 @!p5 $0x0;
	s7 =	simm.s32 @!p3 $0x0  }
0x7a: {  	s10 =	simm.s32 @!p6 $0x0;
	s0 =	simm.s32 @p0 $0x1;
	p0 =	sne.s32 s17, $0x0  }
0x7b: {  	v63 =	vmov s7;
	v35 =	vmov s10;
	v4 =	vmov s2;
	s8 =	simm.s32 @!p0 $0x0  }
0x7c: {  	v3 =	vmov s8;
	vm1 =	vgt.f32 v6, v40;
	vm2 =	veq.f32 v6, v40  }
0x7d: {  	v6 =	vmovc v5;
	v5 =	vsel vm1, $0x1, v0;
	v3 =	vnsel vm2, $0x0, v3;
	vm1 =	vgt.f32 v7, v40  }
0x7e: {  	v3 =	vadd.s32 v5, v3;
	v5 =	vsel vm1, $0x1, v0;
	vm1 =	veq.f32 v7, v40  }
0x7f: {  	v3 =	vadd.s32 v5, v3;
	v35 =	vnsel vm1, $0x0, v35;
	vm1 =	vgt.f32 v17, v40  }
0x80: {  	v3 =	vadd.s32 v35, v3;
	v7 =	vsel vm1, $0x1, v0;
	vm1 =	veq.f32 v17, v40  }
0x81: {  	v3 =	vadd.s32 v7, v3;
	v4 =	vnsel vm1, $0x0, v4;
	vm1 =	vgt.f32 v18, v40  }
0x82: {  	v3 =	vadd.s32 v4, v3;
	v4 =	vsel vm1, $0x1, v0;
	vm1 =	veq.f32 v18, v40  }
0x83: {  	v3 =	vadd.s32 v4, v3;
	v4 =	vnsel vm1, $0x0, v63;
	vm1 =	vgt.f32 v14, v40  }
0x84: {  	v3 =	vadd.s32 v4, v3;
	v4 =	vsel vm1, $0x1, v0  }
0x85: {  	v3 =	vadd.s32 v4, v3;
	v4 =	vld [tilespmem:$0x1FFC0];
	_ =	sdelay $0x1  }
0x86: {  	[smem:$0x7FD] =	sst s0;
	s0 =	simm.s32 $0x1  }
0x87: {  	p4 =	sgt.u32 s18, $0x17;
	s0 =	simm.s32 @!p2 $0x0  }
0x88: {  	v2 =	vmov s0;
	s0 =	simm.s32 @!p4 $0x0;
	vm1 =	veq.f32 v14, v40  }
0x89: {  	p6 =	sgt.u32 s18, $0x19;
	s0 =	simm.s32 @p4 $0x1;
	v2 =	vnsel vm1, $0x0, v2;
	vm1 =	vgt.f32 v4, v40  }
0x8a: {  	[smem:$0x7EF] =	sst s0;
	s0 =	simm.s32 @!p6 $0x0;
	v2 =	vadd.s32 v2, v3;
	v3 =	vsel vm1, $0x1, v0  }
0x8b: {  	s0 =	simm.s32 @p6 $0x1;
	p6 =	sgt.u32 s18, $0x14;
	v2 =	vadd.s32 v3, v2;
	v3 =	vld [tilespmem:$0x1FFD0]  }
0x8c: {  	[smem:$0x7ED] =	sst s0;
	s0 =	simm.s32 @!p6 $0x0  }
0x8d: {  	s1 =	simm.s32 $0x1;
	v57 =	vmov s22;
	s0 =	simm.s32 @p6 $0x1;
	p6 =	sgt.u32 s18, $0x15  }
0x8e: {  	v58 =	vmov s19;
	v59 =	vmov s20;
	v60 =	vmov s23;
	s1 =	simm.s32 @!p1 $0x0;
	[smem:$0x7F0] =	sst s0;
	s0 =	simm.s32 @!p6 $0x0  }
0x8f: {  	v61 =	vmov s24;
	v1 =	vmov s1;
	s0 =	simm.s32 @p6 $0x1;
	p6 =	sgt.u32 s18, $0x16;
	vm1 =	veq.f32 v4, v40  }
0x90: {  	v62 =	vmov s21;
	[smem:$0x7F1] =	sst s0;
	s0 =	simm.s32 @!p6 $0x0;
	v1 =	vnsel vm1, $0x0, v1;
	vm1 =	vgt.f32 v3, v40  }
0x91: {  	s0 =	simm.s32 @p6 $0x1;
	p6 =	sgt.u32 s18, $0x11;
	v1 =	vadd.s32 v1, v2;
	v2 =	vsel vm1, $0x1, v0;
	vm1 =	veq.f32 v3, v40  }
0x92: {  	[smem:$0x7EE] =	sst s0;
	s0 =	simm.s32 @!p6 $0x0;
	v1 =	vadd.s32 v2, v1;
	v2 =	vnsel vm1, $0x0, v60;
	vm1 =	vgt.f32 v8, v40  }
0x93: {  	s0 =	simm.s32 @p6 $0x1;
	p6 =	sgt.u32 s18, $0x12;
	v1 =	vadd.s32 v2, v1;
	v2 =	vsel vm1, $0x1, v0;
	vm1 =	veq.f32 v8, v40  }
0x94: {  	[smem:$0x7F5] =	sst s0;
	s0 =	simm.s32 @!p6 $0x0;
	v1 =	vadd.s32 v2, v1;
	v2 =	vnsel vm1, $0x0, v61;
	vm1 =	vgt.f32 v9, v40  }
0x95: {  	s0 =	simm.s32 @p6 $0x1;
	p6 =	sgt.u32 s18, $0x13;
	v1 =	vadd.s32 v2, v1;
	v2 =	vsel vm1, $0x1, v0;
	vm1 =	veq.f32 v9, v40  }
0x96: {  	[smem:$0x7F2] =	sst s0;
	s0 =	simm.s32 @!p6 $0x0;
	v1 =	vadd.s32 v2, v1;
	v2 =	vnsel vm1, $0x0, v62;
	vm1 =	vgt.f32 v10, v40  }
0x97: {  	s0 =	simm.s32 @p6 $0x1;
	p6 =	sgt.u32 s18, $0xE;
	v1 =	vadd.s32 v2, v1;
	v2 =	vsel vm1, $0x1, v0;
	vm1 =	veq.f32 v10, v40  }
0x98: {  	[smem:$0x7F3] =	sst s0;
	s0 =	simm.s32 @!p6 $0x0;
	v1 =	vadd.s32 v2, v1;
	v2 =	vnsel vm1, $0x0, v57;
	vm1 =	vgt.f32 v11, v40  }
0x99: {  	s0 =	simm.s32 @p6 $0x1;
	p6 =	sgt.u32 s18, $0xF;
	v1 =	vadd.s32 v2, v1;
	v2 =	vsel vm1, $0x1, v0;
	vm1 =	veq.f32 v11, v40  }
0x9a: {  	[smem:$0x7F6] =	sst s0;
	s0 =	simm.s32 @!p6 $0x0;
	v1 =	vadd.s32 v2, v1;
	v2 =	vnsel vm1, $0x0, v58;
	vm1 =	vgt.f32 v12, v40  }
0x9b: {  	s0 =	simm.s32 @p6 $0x1;
	p6 =	sgt.u32 s18, $0x10;
	v1 =	vadd.s32 v2, v1;
	v2 =	vsel vm1, $0x1, v0;
	vm1 =	veq.f32 v12, v40  }
0x9c: {  	[smem:$0x7F7] =	sst s0;
	s0 =	simm.s32 @!p6 $0x0;
	v1 =	vadd.s32 v2, v1;
	v2 =	vnsel vm1, $0x0, v59;
	vm1 =	vgt.f32 v13, v40  }
0x9d: {  	s0 =	simm.s32 @p6 $0x1;
	p6 =	sgt.u32 s18, $0xC;
	v1 =	vadd.s32 v2, v1;
	v2 =	vsel vm1, $0x1, v0;
	vm1 =	veq.f32 v13, v40  }
0x9e: {  	[smem:$0x7F4] =	sst s0;
	s0 =	simm.s32 @!p6 $0x0;
	v1 =	vadd.s32 v2, v1;
	v2 =	vnsel vm1, $0x0, v56;
	vm1 =	vgt.f32 v15, v40  }
0x9f: {  	s0 =	simm.s32 @p6 $0x1;
	p6 =	sgt.u32 s18, $0xD;
	v1 =	vadd.s32 v2, v1;
	v2 =	vsel vm1, $0x1, v0;
	vm1 =	veq.f32 v15, v40  }
0xa0: {  	[smem:$0x7F8] =	sst s0;
	s0 =	simm.s32 @!p6 $0x0;
	v1 =	vadd.s32 v2, v1;
	v2 =	vnsel vm1, $0x0, v55;
	vm1 =	vgt.f32 v16, v40  }
0xa1: {  	s0 =	simm.s32 @p6 $0x1;
	v1 =	vadd.s32 v2, v1;
	v2 =	vsel vm1, $0x1, v0;
	vm1 =	veq.f32 v16, v40  }
0xa2: {  	p1 =	seq.s32 s18, $0x1F;
	[smem:$0x7F9] =	sst s0;
	s0 =	simm.s32 $0x1;
	v1 =	vadd.s32 v2, v1;
	v2 =	vnsel vm1, $0x0, v54;
	vm1 =	vgt.f32 v19, v40  }
0xa3: {  	s0 =	simm.s32 @!p1 $0x0;
	p1 =	sgt.u32 s18, $0xB;
	v1 =	vadd.s32 v2, v1;
	v2 =	vsel vm1, $0x1, v0;
	vm1 =	veq.f32 v19, v40  }
0xa4: {  	s1 =	simm.s32 @!p1 $0x0;
	v1 =	vadd.s32 v2, v1;
	v2 =	vnsel vm1, $0x0, v53;
	vm1 =	vgt.f32 v20, v40  }
0xa5: {  	s22 =	sld [smem:$0x7ED];
	s1 =	simm.s32 @p1 $0x1;
	v1 =	vadd.s32 v2, v1;
	v2 =	vsel vm1, $0x1, v0;
	vm1 =	veq.f32 v20, v40  }
0xa6: {  	p0 =	sgt.u32 s18, $0x1C;
	[smem:$0x7FA] =	sst s1;
	s1 =	simm.s32 $0x1;
	v1 =	vadd.s32 v2, v1;
	v2 =	vnsel vm1, $0x0, v52;
	vm1 =	vgt.f32 v21, v40  }
0xa7: {  	s23 =	sld [smem:$0x7EE];
	s1 =	simm.s32 @!p0 $0x0;
	p0 =	sgt.u32 s18, $0x9;
	v1 =	vadd.s32 v2, v1;
	v2 =	vsel vm1, $0x1, v0;
	vm1 =	veq.f32 v21, v40  }
0xa8: {  	s24 =	sld [smem:$0x7EF];
	s10 =	simm.s32 @!p0 $0x0;
	v1 =	vadd.s32 v2, v1;
	v2 =	vnsel vm1, $0x0, v51;
	vm1 =	vgt.f32 v22, v40  }
0xa9: {  	s19 =	simm.s32 $0x1;
	s10 =	simm.s32 @p0 $0x1;
	p0 =	seq.s32 s22, $0x1;
	v1 =	vadd.s32 v2, v1;
	v2 =	vsel vm1, $0x1, v0;
	vm1 =	veq.f32 v22, v40  }
0xaa: {  	s20 =	simm.s32 $0x1;
	s19 =	simm.s32 @!p0 $0x0;
	p0 =	seq.s32 s23, $0x1;
	v1 =	vadd.s32 v2, v1;
	v2 =	vnsel vm1, $0x0, v49;
	vm1 =	vgt.f32 v23, v40  }
0xab: {  	s21 =	simm.s32 $0x1;
	s20 =	simm.s32 @!p0 $0x0;
	p0 =	seq.s32 s24, $0x1;
	v1 =	vadd.s32 v2, v1;
	v2 =	vsel vm1, $0x1, v0;
	vm1 =	veq.f32 v23, v40  }
0xac: {  	s25 =	sld [smem:$0x7F0];
	s21 =	simm.s32 @!p0 $0x0;
	p0 =	sgt.u32 s18, $0x7;
	v1 =	vadd.s32 v2, v1;
	v2 =	vnsel vm1, $0x0, v48;
	vm1 =	vgt.f32 v24, v40  }
0xad: {  	s26 =	sld [smem:$0x7F1];
	s22 =	simm.s32 @!p0 $0x0;
	v1 =	vadd.s32 v2, v1;
	v2 =	vsel vm1, $0x1, v0;
	vm1 =	veq.f32 v24, v40  }
0xae: {  	s22 =	simm.s32 @p0 $0x1;
	v1 =	vadd.s32 v2, v1;
	v2 =	vnsel vm1, $0x0, v47;
	vm1 =	vgt.f32 v25, v40  }
0xaf: {  	p0 =	seq.s32 s25, $0x1;
	[smem:$0x7FC] =	sst s22;
	s22 =	simm.s32 $0x1;
	v1 =	vadd.s32 v2, v1;
	v2 =	vsel vm1, $0x1, v0;
	vm1 =	veq.f32 v25, v40  }
0xb0: {  	s23 =	simm.s32 $0x1;
	s22 =	simm.s32 @!p0 $0x0;
	p0 =	seq.s32 s26, $0x1;
	v1 =	vadd.s32 v2, v1;
	v2 =	vnsel vm1, $0x0, v46;
	vm1 =	vgt.f32 v26, v40  }
0xb1: {  	s23 =	simm.s32 @!p0 $0x0;
	v47 =	vmov s22;
	v1 =	vadd.s32 v2, v1;
	v2 =	vsel vm1, $0x1, v0  }
0xb2: {  	v46 =	vmov s23;
	vm1 =	veq.f32 v26, v40;
	v1 =	vadd.s32 v2, v1  }
0xb3: {  	v2 =	vnsel vm1, $0x0, v45;
	vm1 =	vgt.f32 v27, v40;
	v45 =	vmov s20  }
0xb4: {  	v1 =	vadd.s32 v2, v1;
	v2 =	vsel vm1, $0x1, v0;
	vm1 =	veq.f32 v27, v40  }
0xb5: {  	s15 =	sadd.s32 $0x80, s15;
	s16 =	sadd.s32 $0x80, s16;
	p3 =	sgt.u32 s18, $0x1D;
	v1 =	vadd.s32 v2, v1;
	v2 =	vnsel vm1, $0x0, v44;
	vm1 =	vgt.f32 v28, v40  }
0xb6: {  	p5 =	sgt.u32 s18, $0x1B;
	s17 =	smov.u32 s18;
	s28 =	sld [smem:$0x7F2];
	v1 =	vadd.s32 v2, v1;
	v2 =	vsel vm1, $0x1, v0;
	vm1 =	veq.f32 v28, v40  }
0xb7: {  	p4 =	sgt.u32 s18, $0x18;
	[smem:$0x7FB] =	sst s10;
	s10 =	simm.s32 $0x1;
	v1 =	vadd.s32 v2, v1;
	v2 =	vnsel vm1, $0x0, v43;
	vm1 =	vgt.f32 v29, v40  }
0xb8: {  	s2 =	simm.s32 $0x1;
	s30 =	sld [smem:$0x7F6];
	s10 =	simm.s32 @!p4 $0x0;
	v44 =	vmov s21;
	v1 =	vadd.s32 v2, v1;
	v2 =	vsel vm1, $0x1, v0  }
0xb9: {  	s7 =	simm.s32 $0x1;
	s2 =	simm.s32 @!p3 $0x0;
	s29 =	sld [smem:$0x7F4];
	v43 =	vmov s10;
	vm1 =	veq.f32 v29, v40;
	v1 =	vadd.s32 v2, v1  }
0xba: {  	p2 =	sgt.u32 s18, $0x1A;
	s8 =	simm.s32 $0x1;
	s31 =	sld [smem:$0x7F7];
	v2 =	vnsel vm1, $0x0, v42;
	vm1 =	vgt.f32 v30, v40;
	v42 =	vmov s19  }
0xbb: {  	s7 =	simm.s32 @!p2 $0x0;
	p1 =	seq.s32 s28, $0x1;
	s28 =	sld [smem:$0x7FA];
	v1 =	vadd.s32 v2, v1;
	v2 =	vsel vm1, $0x1, v0;
	vm1 =	veq.f32 v30, v40  }
0xbc: {  	s8 =	simm.s32 @!p5 $0x0;
	p2 =	seq.s32 s29, $0x1;
	s29 =	sld [smem:$0x7FB];
	v1 =	vadd.s32 v2, v1;
	v2 =	vnsel vm1, $0x0, v41;
	vm1 =	vgt.f32 v31, v40  }
0xbd: {  	p3 =	seq.s32 s30, $0x1;
	p6 =	sgt.u32 s18, $0xA;
	s25 =	sld [smem:$0x7F3];
	v1 =	vadd.s32 v2, v1;
	v2 =	vsel vm1, $0x1, v0;
	vm1 =	veq.f32 v31, v40  }
0xbe: {  	p4 =	sgt.u32 s18, $0x8;
	s24 =	simm.s32 $0x1;
	s30 =	sld [smem:$0x7FC];
	v1 =	vadd.s32 v2, v1;
	v2 =	vnsel vm1, $0x0, v39;
	vm1 =	vgt.f32 v32, v40  }
0xbf: {  	s26 =	sld [smem:$0x7F5];
	p0 =	sgt.u32 s18, $0x6;
	s23 =	simm.s32 $0x1;
	v41 =	vmov s7;
	v1 =	vadd.s32 v2, v1;
	v2 =	vsel vm1, $0x1, v0  }
0xc0: {  	s22 =	simm.s32 $0x1;
	s23 =	simm.s32 @!p0 $0x0;
	s19 =	sld [smem:$0x7F8];
	v39 =	vmov s8;
	vm1 =	veq.f32 v32, v40;
	v1 =	vadd.s32 v2, v1  }
0xc1: {  	p0 =	seq.s32 s30, $0x1;
	s20 =	simm.s32 $0x1;
	s21 =	simm.s32 $0x1;
	v2 =	vnsel vm1, $0x0, v38;
	vm1 =	vgt.f32 v33, v40;
	v38 =	vmov s1  }
0xc2: {  	v3 =	vld [tilespmem:$0x1FFE0];
	s21 =	simm.s32 @!p4 $0x0;
	p4 =	seq.s32 s29, $0x1;
	s10 =	simm.s32 $0x1;
	v1 =	vadd.s32 v2, v1;
	v2 =	vsel vm1, $0x1, v0;
	vm1 =	veq.f32 v33, v40  }
0xc3: {  	s22 =	simm.s32 @!p4 $0x0;
	s7 =	simm.s32 $0x1;
	p5 =	seq.s32 s19, $0x1;
	v1 =	vadd.s32 v2, v1;
	v2 =	vnsel vm1, $0x0, v37;
	vm1 =	vgt.f32 v34, v40  }
0xc4: {  	s19 =	simm.s32 $0x1;
	s8 =	simm.s32 $0x1;
	s1 =	simm.s32 $0x1;
	v1 =	vadd.s32 v2, v1;
	v2 =	vsel vm1, $0x1, v0;
	vm1 =	veq.f32 v34, v40  }
0xc5: {  	v4 =	vld [tilespmem:$0x1FFF0];
	s1 =	simm.s32 @!p3 $0x0;
	p3 =	seq.s32 s31, $0x1;
	v1 =	vadd.s32 v2, v1;
	v2 =	vnsel vm1, $0x0, v36;
	v36 =	vmov s0;
	s0 =	simm.s32 $0x1  }
0xc6: {  	s31 =	sld [smem:$0x7FD];
	s0 =	simm.s32 @!p1 $0x0;
	p1 =	seq.s32 s25, $0x1  }
0xc7: {  	v50 =	vbroadcast v50, $0x0;
	s7 =	simm.s32 @!p5 $0x0;
	v37 =	vmov s2;
	s2 =	simm.s32 $0x1;
	vm1 =	vgt.f32 v3, v40;
	s24 =	simm.s32 @!p1 $0x0  }
0xc8: {  	s2 =	simm.s32 @!p2 $0x0;
	p2 =	seq.s32 s26, $0x1;
	v1 =	vadd.s32 v2, v1;
	v2 =	vsel vm1, $0x1, v0;
	v48 =	vmov s24;
	s24 =	simm.s32 $0x1  }
0xc9: {  	s26 =	sld [smem:$0x7F9];
	v3 =	vsel vm0, s18, v6;
	v1 =	vadd.s32 v2, v1;
	v2 =	vand.u32 $0x1, v50;
	s24 =	simm.s32 @!p0 $0x0;
	p0 =	seq.s32 s31, $0x1  }
.Ltmp0:
0xca: {  	s19 =	simm.s32 @!p6 $0x0;
	p6 =	seq.s32 s28, $0x1;
	vm1 =	vle.s32 v3, v4;
	vm2 =	vlt.s32 v1, $0x10;
	vm3 =	veq.s32 v2, $0x1;
	(pc) =	sbr.rel @p0 .LBB2_3-.Ltmp0, $4  }
0xcb: {  	v57 =	vimm.f32 $0.0e+00;
	s20 =	simm.s32 @!p6 $0x0;
	p6 =	sgt.u32 s18, $0x1;
	s8 =	simm.s32 @!p3 $0x0;
	v50 =	vsel vm1, $0x1, v0;
	vm1 =	vmand vm2, vm3  }
0xcc: {  	v56 =	vmov s7;
	p3 =	sgt.u32 s18, $0x3;
	s25 =	simm.s32 $0x1;
	p5 =	seq.s32 s26, $0x1;
	v1 =	vsel vm1, $0x3F800000, v57  }
0xcd: {  	v54 =	vmov s1;
	v53 =	vmov s8;
	v52 =	vmov s2;
	p1 =	sgt.u32 s18, $0x5;
	s25 =	simm.s32 @!p2 $0x0;
	s10 =	simm.s32 @!p5 $0x0;
	[tilespmem:s15+$0x0] =	vst v1  }
0xce: {  	v5 =	vmovc v6;
	p2 =	sgt.u32 s18, $0x4;
	v49 =	vmov s0;
	p5 =	sgt.u32 s18, $0x2;
	v51 =	vmov s25;
	s18 =	sadd.s32 $0x1, s18;
	v55 =	vmov s10;
	v40 =	vld [tilespmem:s16+$0x0]  }
0xcf: {  	v2 =	vld [tilespmem:$0x1FFA0]  }
0xd0: {  	v3 =	vld [tilespmem:$0x1FFB0];
	_ =	sdelay $0x1  }
0xd1: {  	p0 =	sne.s32 s17, $0x0;
	s0 =	simm.s32 $0x1  }
0xd2: {  	s0 =	simm.s32 @!p0 $0x0  }
0xd3: {  	v1 =	vmov s0;
	vm1 =	vgt.f32 v2, v40;
	vm2 =	veq.f32 v2, v40  }
0xd4: {  	s0 =	simm.s32 $0x1;
	v2 =	vsel vm1, $0x1, v0;
	v1 =	vnsel vm2, $0x0, v1;
	vm1 =	vgt.f32 v3, v40  }
0xd5: {  	s0 =	simm.s32 @!p6 $0x0;
	vm2 =	veq.f32 v3, v40;
	v1 =	vadd.s32 v2, v1;
	v3 =	vsel vm1, $0x1, v0  }
0xd6: {  	v2 =	vmov s0;
	s0 =	simm.s32 $0x1;
	vm1 =	vgt.f32 v17, v40;
	v1 =	vadd.s32 v3, v1  }
0xd7: {  	v2 =	vnsel vm2, $0x0, v2;
	s0 =	simm.s32 @!p5 $0x0;
	vm2 =	veq.f32 v17, v40;
	v3 =	vsel vm1, $0x1, v0  }
0xd8: {  	vm1 =	vgt.f32 v18, v40;
	v1 =	vadd.s32 v2, v1;
	v2 =	vmov s0;
	s0 =	simm.s32 $0x1  }
0xd9: {  	v1 =	vadd.s32 v3, v1;
	v2 =	vnsel vm2, $0x0, v2;
	s0 =	simm.s32 @!p3 $0x0;
	vm2 =	veq.f32 v18, v40  }
0xda: {  	v3 =	vsel vm1, $0x1, v0;
	v1 =	vadd.s32 v2, v1;
	v2 =	vmov s0  }
0xdb: {  	vm1 =	vgt.f32 v14, v40;
	v1 =	vadd.s32 v3, v1;
	v2 =	vnsel vm2, $0x0, v2  }
0xdc: {  	v3 =	vsel vm1, $0x1, v0;
	v1 =	vadd.s32 v2, v1  }
0xdd: {  	v1 =	vadd.s32 v3, v1;
	v3 =	vld [tilespmem:$0x1FFC0];
	_ =	sdelay $0x1  }
0xde: {  	s0 =	simm.s32 $0x1  }
0xdf: {  	s0 =	simm.s32 @!p2 $0x0  }
0xe0: {  	vm2 =	veq.f32 v14, v40;
	v2 =	vmov s0  }
0xe1: {  	v2 =	vnsel vm2, $0x0, v2;
	vm1 =	vgt.f32 v3, v40  }
0xe2: {  	v1 =	vadd.s32 v2, v1;
	vm2 =	veq.f32 v3, v40;
	v3 =	vsel vm1, $0x1, v0  }
0xe3: {  	s0 =	simm.s32 $0x1;
	v1 =	vadd.s32 v3, v1;
	v3 =	vld [tilespmem:$0x1FFD0]  }
0xe4: {  	s0 =	simm.s32 @!p1 $0x0  }
0xe5: {  	v2 =	vmov s0  }
0xe6: {  	v2 =	vnsel vm2, $0x0, v2  }
0xe7: {  	vm3 =	veq.f32 v34, v40;
	v1 =	vadd.s32 v2, v1  }
0xe8: {  	v2 =	vmov s23;
	vm1 =	vgt.f32 v3, v40;
	vm2 =	veq.f32 v3, v40  }
0xe9: {  	v3 =	vsel vm1, $0x1, v0;
	v2 =	vnsel vm2, $0x0, v2;
	vm1 =	vgt.f32 v8, v40  }
0xea: {  	vm2 =	veq.f32 v8, v40;
	v1 =	vadd.s32 v3, v1;
	v3 =	vsel vm1, $0x1, v0  }
0xeb: {  	vm1 =	vgt.f32 v9, v40;
	v1 =	vadd.s32 v2, v1;
	v2 =	vmov s24  }
0xec: {  	v1 =	vadd.s32 v3, v1;
	v2 =	vnsel vm2, $0x0, v2;
	vm2 =	veq.f32 v9, v40  }
0xed: {  	v3 =	vsel vm1, $0x1, v0;
	v1 =	vadd.s32 v2, v1;
	v2 =	vmov s21  }
0xee: {  	vm1 =	vgt.f32 v10, v40;
	v1 =	vadd.s32 v3, v1;
	v2 =	vnsel vm2, $0x0, v2  }
0xef: {  	vm2 =	veq.f32 v10, v40;
	v3 =	vsel vm1, $0x1, v0;
	v1 =	vadd.s32 v2, v1  }
0xf0: {  	vm1 =	vgt.f32 v11, v40;
	v2 =	vmov s22;
	v1 =	vadd.s32 v3, v1  }
0xf1: {  	v2 =	vnsel vm2, $0x0, v2;
	vm2 =	veq.f32 v11, v40;
	v3 =	vsel vm1, $0x1, v0  }
0xf2: {  	vm1 =	vgt.f32 v12, v40;
	v1 =	vadd.s32 v2, v1;
	v2 =	vmov s19  }
0xf3: {  	v1 =	vadd.s32 v3, v1;
	v2 =	vnsel vm2, $0x0, v2;
	vm2 =	veq.f32 v12, v40  }
0xf4: {  	v3 =	vsel vm1, $0x1, v0;
	v1 =	vadd.s32 v2, v1;
	v2 =	vmov s20  }
0xf5: {  	vm1 =	vgt.f32 v13, v40;
	v1 =	vadd.s32 v3, v1;
	v2 =	vnsel vm2, $0x0, v2  }
0xf6: {  	vm2 =	veq.f32 v13, v40;
	v1 =	vadd.s32 v2, v1;
	v2 =	vsel vm1, $0x1, v0  }
0xf7: {  	vm1 =	vgt.f32 v15, v40;
	v1 =	vadd.s32 v2, v1;
	v2 =	vnsel vm2, $0x0, v56  }
0xf8: {  	vm2 =	veq.f32 v15, v40;
	v1 =	vadd.s32 v2, v1;
	v2 =	vsel vm1, $0x1, v0  }
0xf9: {  	vm1 =	vgt.f32 v16, v40;
	v1 =	vadd.s32 v2, v1;
	v2 =	vnsel vm2, $0x0, v55  }
0xfa: {  	vm2 =	veq.f32 v16, v40;
	v1 =	vadd.s32 v2, v1;
	v2 =	vsel vm1, $0x1, v0  }
0xfb: {  	vm1 =	vgt.f32 v19, v40;
	v1 =	vadd.s32 v2, v1;
	v2 =	vnsel vm2, $0x0, v54  }
0xfc: {  	vm2 =	veq.f32 v19, v40;
	v1 =	vadd.s32 v2, v1;
	v2 =	vsel vm1, $0x1, v0  }
0xfd: {  	vm1 =	vgt.f32 v20, v40;
	v1 =	vadd.s32 v2, v1;
	v2 =	vnsel vm2, $0x0, v53  }
0xfe: {  	vm2 =	veq.f32 v20, v40;
	v1 =	vadd.s32 v2, v1;
	v2 =	vsel vm1, $0x1, v0  }
0xff: {  	vm1 =	vgt.f32 v21, v40;
	v1 =	vadd.s32 v2, v1;
	v2 =	vnsel vm2, $0x0, v52  }
0x100: {  	vm2 =	veq.f32 v21, v40;
	v1 =	vadd.s32 v2, v1;
	v2 =	vsel vm1, $0x1, v0  }
0x101: {  	vm1 =	vgt.f32 v22, v40;
	v1 =	vadd.s32 v2, v1;
	v2 =	vnsel vm2, $0x0, v51  }
0x102: {  	vm2 =	veq.f32 v22, v40;
	v1 =	vadd.s32 v2, v1;
	v2 =	vsel vm1, $0x1, v0  }
0x103: {  	vm1 =	vgt.f32 v23, v40;
	v1 =	vadd.s32 v2, v1;
	v2 =	vnsel vm2, $0x0, v49  }
0x104: {  	vm2 =	veq.f32 v23, v40;
	v1 =	vadd.s32 v2, v1;
	v2 =	vsel vm1, $0x1, v0  }
0x105: {  	vm1 =	vgt.f32 v24, v40;
	v1 =	vadd.s32 v2, v1;
	v2 =	vnsel vm2, $0x0, v48  }
0x106: {  	vm2 =	veq.f32 v24, v40;
	v1 =	vadd.s32 v2, v1;
	v2 =	vsel vm1, $0x1, v0  }
0x107: {  	vm1 =	vgt.f32 v25, v40;
	v1 =	vadd.s32 v2, v1;
	v2 =	vnsel vm2, $0x0, v47  }
0x108: {  	vm2 =	veq.f32 v25, v40;
	v1 =	vadd.s32 v2, v1;
	v2 =	vsel vm1, $0x1, v0  }
0x109: {  	vm1 =	vgt.f32 v26, v40;
	v1 =	vadd.s32 v2, v1;
	v2 =	vnsel vm2, $0x0, v46  }
0x10a: {  	vm2 =	veq.f32 v26, v40;
	v1 =	vadd.s32 v2, v1;
	v2 =	vsel vm1, $0x1, v0  }
0x10b: {  	vm1 =	vgt.f32 v27, v40;
	v1 =	vadd.s32 v2, v1;
	v2 =	vnsel vm2, $0x0, v45  }
0x10c: {  	vm2 =	veq.f32 v27, v40;
	v1 =	vadd.s32 v2, v1;
	v2 =	vsel vm1, $0x1, v0  }
0x10d: {  	vm1 =	vgt.f32 v28, v40;
	v1 =	vadd.s32 v2, v1;
	v2 =	vnsel vm2, $0x0, v44  }
0x10e: {  	vm2 =	veq.f32 v28, v40;
	v1 =	vadd.s32 v2, v1;
	v2 =	vsel vm1, $0x1, v0  }
0x10f: {  	vm1 =	vgt.f32 v29, v40;
	v1 =	vadd.s32 v2, v1;
	v2 =	vnsel vm2, $0x0, v43  }
0x110: {  	vm2 =	veq.f32 v29, v40;
	v1 =	vadd.s32 v2, v1;
	v2 =	vsel vm1, $0x1, v0  }
0x111: {  	vm1 =	vgt.f32 v30, v40;
	v1 =	vadd.s32 v2, v1;
	v2 =	vnsel vm2, $0x0, v42  }
0x112: {  	vm2 =	veq.f32 v30, v40;
	v1 =	vadd.s32 v2, v1;
	v2 =	vsel vm1, $0x1, v0  }
0x113: {  	vm1 =	vgt.f32 v31, v40;
	v1 =	vadd.s32 v2, v1;
	v2 =	vnsel vm2, $0x0, v41  }
0x114: {  	vm2 =	veq.f32 v31, v40;
	v1 =	vadd.s32 v2, v1;
	v2 =	vsel vm1, $0x1, v0  }
0x115: {  	v3 =	vld [tilespmem:$0x1FFE0];
	vm1 =	vgt.f32 v32, v40;
	v1 =	vadd.s32 v2, v1;
	v2 =	vnsel vm2, $0x0, v39  }
0x116: {  	vm2 =	veq.f32 v32, v40;
	v1 =	vadd.s32 v2, v1;
	v2 =	vsel vm1, $0x1, v0  }
0x117: {  	vm1 =	vgt.f32 v33, v40;
	v1 =	vadd.s32 v2, v1;
	v2 =	vnsel vm2, $0x0, v38  }
0x118: {  	v1 =	vadd.s32 v2, v1;
	v2 =	vsel vm1, $0x1, v0;
	vm1 =	veq.f32 v33, v40  }
0x119: {  	vm2 =	vgt.f32 v34, v40;
	v1 =	vadd.s32 v2, v1;
	v2 =	vnsel vm1, $0x0, v37  }
0x11a: {  	vm1 =	vgt.f32 v3, v40;
	v1 =	vadd.s32 v2, v1;
	v2 =	vsel vm2, $0x1, v0  }
0x11b: {  	s14 =	sadd.s32 $0x1, s14;
	v3 =	vnsel vm3, $0x0, v36;
	v1 =	vadd.s32 v2, v1;
	v2 =	vbroadcast v50, $0x0  }
0x11c: {  	p0 =	sne.s32 s14, $0x8;
	v1 =	vadd.s32 v3, v1;
	v3 =	vsel vm1, $0x1, v0  }
.Ltmp1:
0x11d: {  	v1 =	vadd.s32 v3, v1;
	v2 =	vand.u32 $0x1, v2;
	(pc) =	sbr.rel @p0 .LBB2_2-.Ltmp1, $4  }
0x11e: {  	vm1 =	vlt.s32 v1, $0x10;
	vm2 =	veq.s32 v2, $0x1  }
0x11f: {  	vm1 =	vmand vm1, vm2  }
0x120: {  	s31 =	sadd.s32 $0x80, s15;
	v1 =	vsel vm1, $0x3F800000, v57  }
0x121: {  	s13 =	sadd.s32 $0x10, s13;
	s12 =	sadd.s32 $0x10, s12;
	[tilespmem:s31+$0x0] =	vst v1  }
0x122: {  	s11 =	sadd.s32 $0x1, s11  }
0x123: {  	s1 =	simm.s32 $0x400;
	p0 =	sne.s32 s11, s6  }
.Ltmp2:
0x124: {  	s2 =	simm.s32 $0x4000;
	s0 =	simm.s32 $0x1000;
	(pc) =	sbr.rel @p0 .LBB2_1-.Ltmp2, $4  }
0x125: {  	[hbm4b:s5+s1] =	stream.strided.scatter [tilespmem:s0], [sflag:$0x1], $0x1000, s2, s1, $0x38;
	[tilespmem:$0x2000] =	vst v63  }
0x126: {  	_ =	swait.ge [sflag:s9], $0x1000  }
0x127: {  	[sflag:s9] =	ssyncset.done $0x0  }
0x128: {  	[sflag:s9] =	ssyncadd.s32 $0xFFFFF000  }
0x129: {  	_ =	sfence.sel $0x180000  }
0x12a: {  	[bflag:$0x0] =	sbarrier.arrive $0xFFFF  }
0x12b: {  	_ =	strace $0x90000047  }
0x12c: {  	s0 =	stileid.u32;
	[bflag:$0x2] =	sbarrier.arrive $0xFFFF  }
0x12d: {  	p0 =	sne.s32 s0, $0x0;
	s0 =	rddreg [dreg:$0x2]  }
0x12e: {  	s0 =	sadd.s32 @!p0 $0x100000, s0  }
0x12f: {  	[sflag:s0] =	ssyncadd.tile.s32 @!p0 $0x1;
	_ =	shalt  }
.Lfunc_end2:
_tile_overlayer_lowered:
.L_overlay_start_2:
0x130: {  	(tag) =	ssettag $0x2  }
0x131: {  	s0 =	rddreg [dreg:$0x0];
	s2 =	stileid.u32  }
0x132: {  	s1 =	rddreg [dreg:$0x1];
	p0 =	sne.s32 s2, $0x0  }
0x133: {  	s3 =	rddreg [dreg:$0x2];
	[bflag:$0x3] =	sbarrier.arrive $0xFFFF;
	s2 =	simm.s32 @!p0 $0x1C01  }
0x134: {  	[timem:s3], [sflag:s2] =	dma.local @!p0 [hbm:s0], s1  }
0x135: {  	s0 =	simm.s32 @!p0 $0x1  }
0x136: {  	_ =	swait.ge @!p0 [sflag:s0], s1  }
0x137: {  	s1 =	ssub.s32 @!p0 $0x0, s1;
	[sflag:s0] =	ssyncset.done @!p0 $0x0  }
0x138: {  	[sflag:s0] =	ssyncadd.s32 @!p0 s1  }
0x139: {  	[bflag:$0x3] =	sbarrier.arrive $0xFFFF  }
0x13a: {  	_ =	shalt  }

</sc_bundles>
